<compile_context>
chip_gen: v7x
topology: tpu7x:2x2x1
jax: 0.10.2.dev20260603
libtpu: 0.0.44.dev20260713+nightly
codegen_flags: <defaults>
</compile_context>

<pallas_src>
import functools

import jax
import jax.numpy as jnp
from jax import lax
from jax.experimental import pallas as pl
from jax.experimental.pallas import tpu as pltpu
from jax.experimental.pallas import tpu_sc as plsc

D = 768
E = 8
DFF = 2 * D
N = 2048
A = 2 * N
T = 512
P = A + E * T
NTP = P // T

NC = 2
NS = 16
NW = NC * NS
BPW = A // NW

TNL = 512


def _route_body(x_ref, wg_ref, bg_ref, idx_ref, w_ref):
    logits = lax.dot_general(
        x_ref[...], wg_ref[...],
        dimension_numbers=(((1,), (1,)), ((), ())),
        preferred_element_type=jnp.float32,
    ) + bg_ref[...]
    ii = lax.broadcasted_iota(jnp.int32, (N, E), 1)
    v1 = jnp.max(logits, axis=1, keepdims=True)
    i1 = jnp.min(jnp.where(logits == v1, ii, E), axis=1, keepdims=True)
    m1 = ii == i1
    neg = jnp.where(m1, -jnp.inf, logits)
    v2 = jnp.max(neg, axis=1, keepdims=True)
    i2 = jnp.min(jnp.where(neg == v2, ii, E), axis=1, keepdims=True)
    z = jnp.exp(v2 - v1)
    sm1 = 1.0 / (1.0 + z)
    sm2 = z / (1.0 + z)
    idx_ref[...] = jnp.concatenate([i1, i2], axis=1)
    w_ref[...] = jnp.concatenate([sm1, sm2], axis=1)


def _route(x, Wg, bg2):
    return pl.pallas_call(
        _route_body,
        out_shape=(jax.ShapeDtypeStruct((N, 2), jnp.int32),
                   jax.ShapeDtypeStruct((N, 2), jnp.float32)),
    )(x, Wg, bg2)


def _sc_reorder(x, tokidx, dest):
    @functools.partial(
        pl.kernel,
        out_type=jax.ShapeDtypeStruct((P, D), jnp.float32),
        mesh=plsc.VectorSubcoreMesh(core_axis_name="c", subcore_axis_name="s"),
        scratch_types=[
            pltpu.VMEM((BPW,), jnp.int32),
            pltpu.VMEM((BPW,), jnp.int32),
            pltpu.VMEM((BPW, D), jnp.float32),
            pltpu.SemaphoreType.DMA,
        ],
    )
    def k(x_hbm, tok_hbm, dst_hbm, out_hbm, tok_v, dst_v, rows_v, sem):
        wid = lax.axis_index("s") * NC + lax.axis_index("c")
        base = wid * BPW
        pltpu.sync_copy(tok_hbm.at[pl.ds(base, BPW)], tok_v)
        pltpu.sync_copy(dst_hbm.at[pl.ds(base, BPW)], dst_v)
        pltpu.async_copy(x_hbm.at[tok_v], rows_v, sem).wait()
        pltpu.async_copy(rows_v, out_hbm.at[dst_v], sem).wait()

    return k(x, tokidx, dest)


def _sc_unsort(ys, g):
    @functools.partial(
        pl.kernel,
        out_type=jax.ShapeDtypeStruct((A, D), jnp.float32),
        mesh=plsc.VectorSubcoreMesh(core_axis_name="c", subcore_axis_name="s"),
        scratch_types=[
            pltpu.VMEM((BPW,), jnp.int32),
            pltpu.VMEM((BPW, D), jnp.float32),
            pltpu.SemaphoreType.DMA,
        ],
    )
    def k(ys_hbm, g_hbm, out_hbm, idx_v, rows_v, sem):
        wid = lax.axis_index("s") * NC + lax.axis_index("c")
        base = wid * BPW
        pltpu.sync_copy(g_hbm.at[pl.ds(base, BPW)], idx_v)
        pltpu.async_copy(ys_hbm.at[idx_v], rows_v, sem).wait()
        pltpu.sync_copy(rows_v, out_hbm.at[pl.ds(base, BPW)])

    return k(ys, g)


def _ffn_body(uexp_s, uact_s, xs_ref, w1_ref, b1_ref, w2_ref, b2_ref,
              ys_ref, w1c_ref, w2c_ref):
    t = pl.program_id(0)
    changed = jnp.logical_or(
        t == 0, uexp_s[t] != uexp_s[jnp.maximum(t - 1, 0)])

    @pl.when(jnp.logical_and(changed, uact_s[t] > 0))
    def _cast():
        w1c_ref[...] = w1_ref[0].astype(jnp.bfloat16)
        w2c_ref[...] = w2_ref[0].astype(jnp.bfloat16)

    @pl.when(uact_s[t] > 0)
    def _():
        H = T // 2
        xa = xs_ref[0:H, :].astype(jnp.bfloat16)
        xb = xs_ref[H:T, :].astype(jnp.bfloat16)
        dn = (((1,), (1,)), ((), ()))
        ha = lax.dot_general(xa, w1c_ref[...], dimension_numbers=dn,
                             preferred_element_type=jnp.float32) + b1_ref[0]
        hb = lax.dot_general(xb, w1c_ref[...], dimension_numbers=dn,
                             preferred_element_type=jnp.float32) + b1_ref[0]
        ha = jnp.maximum(ha, 0.0).astype(jnp.bfloat16)
        hb = jnp.maximum(hb, 0.0).astype(jnp.bfloat16)
        ys_ref[0:H, :] = lax.dot_general(
            ha, w2c_ref[...], dimension_numbers=dn,
            preferred_element_type=jnp.float32) + b2_ref[0]
        ys_ref[H:T, :] = lax.dot_general(
            hb, w2c_ref[...], dimension_numbers=dn,
            preferred_element_type=jnp.float32) + b2_ref[0]


def _ffn(xs, W1, b1, W2, b2, uexp, uact):
    grid_spec = pltpu.PrefetchScalarGridSpec(
        num_scalar_prefetch=2,
        grid=(NTP,),
        in_specs=[
            pl.BlockSpec((T, D), lambda t, ue, ua: (t, 0)),
            pl.BlockSpec((1, DFF, D), lambda t, ue, ua: (ue[t], 0, 0)),
            pl.BlockSpec((1, 1, DFF), lambda t, ue, ua: (ue[t], 0, 0)),
            pl.BlockSpec((1, D, DFF), lambda t, ue, ua: (ue[t], 0, 0)),
            pl.BlockSpec((1, 1, D), lambda t, ue, ua: (ue[t], 0, 0)),
        ],
        out_specs=pl.BlockSpec((T, D), lambda t, ue, ua: (t, 0)),
        scratch_shapes=[
            pltpu.VMEM((DFF, D), jnp.bfloat16),
            pltpu.VMEM((D, DFF), jnp.bfloat16),
        ],
    )
    return pl.pallas_call(
        _ffn_body,
        grid_spec=grid_spec,
        out_shape=jax.ShapeDtypeStruct((P, D), jnp.float32),
    )(uexp, uact, xs, W1, b1, W2, b2)


def _ln_body(x_ref, tw_ref, b0_ref, b1_ref, gamma_ref, beta_ref, out_ref):
    w0 = tw_ref[:, 0:1]
    w1 = tw_ref[:, 1:2]
    res = x_ref[...] + w0 * b0_ref[...] + w1 * b1_ref[...]
    mu = jnp.mean(res, axis=1, keepdims=True)
    var = jnp.mean((res - mu) ** 2, axis=1, keepdims=True)
    out_ref[...] = (gamma_ref[...] * (res - mu)
                    * lax.rsqrt(var + 1e-5) + beta_ref[...])


def _ln(x, top_w, buf, gamma2, beta2):
    nt = N // TNL
    return pl.pallas_call(
        _ln_body,
        grid=(nt,),
        in_specs=[
            pl.BlockSpec((TNL, D), lambda t: (t, 0)),
            pl.BlockSpec((TNL, 2), lambda t: (t, 0)),
            pl.BlockSpec((TNL, D), lambda t: (t, 0)),
            pl.BlockSpec((TNL, D), lambda t: (t + N // TNL, 0)),
            pl.BlockSpec((1, D), lambda t: (0, 0)),
            pl.BlockSpec((1, D), lambda t: (0, 0)),
        ],
        out_specs=pl.BlockSpec((TNL, D), lambda t: (t, 0)),
        out_shape=jax.ShapeDtypeStruct((N, D), jnp.float32),
    )(x, top_w, buf, buf, gamma2, beta2)


@jax.jit
def kernel(x, Wg, bg, W1, b1, W2, b2, gamma, beta):
    i32 = jnp.int32
    bg2 = bg.reshape(1, E)
    gamma2 = gamma.reshape(1, D)
    beta2 = beta.reshape(1, D)

    top_idx, top_w = _route(x, Wg, bg2)

    ef = top_idx.reshape(-1)
    oh = (ef[:, None] == jnp.arange(E, dtype=i32)[None, :]).astype(i32)
    ranks = jnp.cumsum(oh, axis=0)
    counts = ranks[-1]
    pcount = ((counts + (T - 1)) // T) * T
    pends = jnp.cumsum(pcount)
    poff = pends - pcount
    rank_a = jnp.sum(oh * ranks, axis=1)
    base_a = jnp.sum(oh * poff[None, :], axis=1)
    dest = (base_a + rank_a - 1).astype(i32)
    tokidx = (jnp.arange(A, dtype=i32) // 2)
    g = dest.reshape(N, 2).T.reshape(-1)

    starts_r = jnp.arange(NTP, dtype=i32) * T
    ue_raw = jnp.searchsorted(pends, starts_r, side="right").astype(i32)
    uact = (starts_r < pends[-1]).astype(i32)
    ue = jnp.maximum(
        lax.cummax(jnp.where(uact > 0, jnp.clip(ue_raw, 0, E - 1), -1)),
        0).astype(i32)

    xs = _sc_reorder(x, tokidx, dest)
    ys = _ffn(xs, W1, b1.reshape(E, 1, DFF), W2, b2.reshape(E, 1, D),
              ue, uact)
    buf = _sc_unsort(ys, g)
    return _ln(x, top_w, buf, gamma2, beta2)

# --- scband reference (transcript-rebuilt; emitter-appended) ---
"""Pipeline reference for scband-mo-eblock-8005819040113 (READ-ONLY COPY).

The authoritative reference and input builder live on the scoring server;
editing this copy changes nothing except your own understanding.
"""

import jax, jax.numpy as jnp
import numpy as np

D = 768
E = 8
TOPK = 2
DFF = 2 * D
N = 2048


def setup_inputs(seed: int = 0) -> dict:
    key = jax.random.key(seed)
    ks = jax.random.split(key, 8)
    x = jax.random.normal(ks[0], (N, D), dtype=jnp.float32)
    s1 = 1.0 / np.sqrt(D)
    s2 = 1.0 / np.sqrt(DFF)
    Wg = jax.random.uniform(ks[1], (E, D), minval=-s1, maxval=s1, dtype=jnp.float32)
    bg = jax.random.uniform(ks[2], (E,), minval=-s1, maxval=s1, dtype=jnp.float32)
    W1 = jax.random.uniform(ks[3], (E, DFF, D), minval=-s1, maxval=s1, dtype=jnp.float32)
    b1 = jax.random.uniform(ks[4], (E, DFF), minval=-s1, maxval=s1, dtype=jnp.float32)
    W2 = jax.random.uniform(ks[5], (E, D, DFF), minval=-s2, maxval=s2, dtype=jnp.float32)
    b2 = jax.random.uniform(ks[6], (E, D), minval=-s2, maxval=s2, dtype=jnp.float32)
    gamma = jnp.ones((D,), dtype=jnp.float32)
    beta = jnp.zeros((D,), dtype=jnp.float32)
    return {"x": x, "Wg": Wg, "bg": bg, "W1": W1, "b1": b1, "W2": W2, "b2": b2, "gamma": gamma, "beta": beta}


def reference(x, Wg, bg, W1, b1, W2, b2, gamma, beta):
    # gating + top-k routing
    gating_logits = x @ Wg.T + bg  # [N, E]
    top_w, top_idx = jax.lax.top_k(gating_logits, TOPK)  # [N, TOPK]
    top_w = jax.nn.softmax(top_w, axis=-1)
    mixed = jnp.zeros_like(x)
    for i in range(TOPK):
        ind_i = top_idx[:, i]  # [N]
        out_i = jnp.zeros_like(x)
        for e in range(E):
            mask = (ind_i == e)[:, None]
            h = jnp.maximum(x @ W1[e].T + b1[e], 0.0)
            y = h @ W2[e].T + b2[e]  # dropout is identity in eval mode
            out_i = jnp.where(mask, y, out_i)
        mixed = mixed + out_i * top_w[:, i:i + 1]
    res = mixed + x
    mu = jnp.mean(res, axis=-1, keepdims=True)
    var = jnp.var(res, axis=-1, keepdims=True)
    return gamma * (res - mu) / jnp.sqrt(var + 1e-5) + beta

if __name__ == "__main__":
    import jax
    _d = setup_inputs()
    print(jax.jit(kernel)(*tuple(_d.values())))

</pallas_src>

<mosaic_0001>
#map = affine_map<(d0, d1) -> (0, 0)>
#map1 = affine_map<(d0, d1) -> (0)>
module attributes {stable_mosaic.version = 14 : i64} {
  func.func @k(%arg0: i32, %arg1: i32, %arg2: memref<8192x768xf32, #tpu.memory_space<hbm>>, %arg3: memref<4096xi32, #tpu.memory_space<hbm>>, %arg4: memref<4096x768xf32, #tpu.memory_space<hbm>>, %arg5: memref<128xi32, #tpu.memory_space<vmem>>, %arg6: memref<128x768xf32, #tpu.memory_space<vmem>>, %arg7: memref<!tpu.dma_semaphore, #tpu.memory_space<semaphore_mem>>) attributes {dimension_semantics = [#tpu.dimension_semantics<core_parallel>, #tpu.dimension_semantics<subcore_parallel>], iteration_bounds = array<i64: 2, 16>, scalar_prefetch = 0 : i64, scratch_operands = 3 : i64, tpu.core_type = #tpu.core_type<sc_vector_subcore>, window_params = [{transform_indices = #map}, {transform_indices = #map1}, {transform_indices = #map}]} {
    %mul3A = arith.constant 2 : i32
    %mul3A_0 = arith.muli %arg1, %mul3A : i32
    %add3A = arith.addi %mul3A_0, %arg0 : i32
    %mul3A_1 = arith.constant 128 : i32
    %mul3A_2 = arith.muli %add3A, %mul3A_1 : i32
    "tpu.region"() ({
      %run_scoped3A = tpu.sem_alloc : memref<!tpu.dma_semaphore, #tpu.memory_space<semaphore_mem>>
      %dma_start3A_7 = tpu.memref_slice %arg3[%mul3A_2] : memref<4096xi32, #tpu.memory_space<hbm>> -> memref<128xi32, #tpu.memory_space<hbm>>
      %dma_start3A_8 = tpu.memref_slice %arg3[%mul3A_2] : memref<4096xi32, #tpu.memory_space<hbm>> -> memref<128xi32, #tpu.memory_space<hbm>>
      tpu.enqueue_dma source(%dma_start3A_8 : memref<128xi32, #tpu.memory_space<hbm>>) target(%arg5 : memref<128xi32, #tpu.memory_space<vmem>>) target_semaphore(%run_scoped3A : memref<!tpu.dma_semaphore, #tpu.memory_space<semaphore_mem>>)
      %dma_wait3A_9 = tpu.memref_slice %arg3[%mul3A_2] : memref<4096xi32, #tpu.memory_space<hbm>> -> memref<128xi32, #tpu.memory_space<hbm>>
      %dma_wait3A_10 = tpu.memref_slice %arg3[%mul3A_2] : memref<4096xi32, #tpu.memory_space<hbm>> -> memref<128xi32, #tpu.memory_space<hbm>>
      tpu.wait_dma2 semaphore(%run_scoped3A : memref<!tpu.dma_semaphore, #tpu.memory_space<semaphore_mem>>) src(%dma_wait3A_10 : memref<128xi32, #tpu.memory_space<hbm>>) dst(%arg5 : memref<128xi32, #tpu.memory_space<vmem>>)
      tpu.yield
    }) : () -> ()
    %dma_start3A = arith.constant 0 : i32
    %dma_start3A_3 = arith.constant 0 : i32
    %dma_start3A_4 = tpu.memref_slice %arg2[%dma_start3A, %dma_start3A_3] : memref<8192x768xf32, #tpu.memory_space<hbm>> -> memref<8192x768xf32, #tpu.memory_space<hbm>>
    tpu.enqueue_indirect_dma source(%dma_start3A_4 : memref<8192x768xf32, #tpu.memory_space<hbm>>) target(%arg6 : memref<128x768xf32, #tpu.memory_space<vmem>>) offsets(%arg5 : memref<128xi32, #tpu.memory_space<vmem>>) semaphore(%arg7 : memref<!tpu.dma_semaphore, #tpu.memory_space<semaphore_mem>>)
    %dma_wait3A = arith.constant 0 : i32
    %dma_wait3A_5 = arith.constant 0 : i32
    %dma_wait3A_6 = tpu.memref_slice %arg2[%dma_wait3A, %dma_wait3A_5] : memref<8192x768xf32, #tpu.memory_space<hbm>> -> memref<8192x768xf32, #tpu.memory_space<hbm>>
    tpu.wait_indirect_dma semaphore(%arg7 : memref<!tpu.dma_semaphore, #tpu.memory_space<semaphore_mem>>) src(%dma_wait3A_6 : memref<8192x768xf32, #tpu.memory_space<hbm>>) dst(%arg6 : memref<128x768xf32, #tpu.memory_space<vmem>>)
    "tpu.region"() ({
      %run_scoped3A = tpu.sem_alloc : memref<!tpu.dma_semaphore, #tpu.memory_space<semaphore_mem>>
      %dma_start3A_7 = arith.constant 0 : i32
      %dma_start3A_8 = tpu.memref_slice %arg4[%mul3A_2, %dma_start3A_7] : memref<4096x768xf32, #tpu.memory_space<hbm>> -> memref<128x768xf32, #tpu.memory_space<hbm>>
      %dma_start3A_9 = arith.constant 0 : i32
      %dma_start3A_10 = tpu.memref_slice %arg4[%mul3A_2, %dma_start3A_9] : memref<4096x768xf32, #tpu.memory_space<hbm>> -> memref<128x768xf32, #tpu.memory_space<hbm>>
      tpu.enqueue_dma source(%arg6 : memref<128x768xf32, #tpu.memory_space<vmem>>) target(%dma_start3A_10 : memref<128x768xf32, #tpu.memory_space<hbm>>) target_semaphore(%run_scoped3A : memref<!tpu.dma_semaphore, #tpu.memory_space<semaphore_mem>>)
      %dma_wait3A_11 = arith.constant 0 : i32
      %dma_wait3A_12 = tpu.memref_slice %arg4[%mul3A_2, %dma_wait3A_11] : memref<4096x768xf32, #tpu.memory_space<hbm>> -> memref<128x768xf32, #tpu.memory_space<hbm>>
      %dma_wait3A_13 = arith.constant 0 : i32
      %dma_wait3A_14 = tpu.memref_slice %arg4[%mul3A_2, %dma_wait3A_13] : memref<4096x768xf32, #tpu.memory_space<hbm>> -> memref<128x768xf32, #tpu.memory_space<hbm>>
      tpu.wait_dma2 semaphore(%run_scoped3A : memref<!tpu.dma_semaphore, #tpu.memory_space<semaphore_mem>>) src(%arg6 : memref<128x768xf32, #tpu.memory_space<vmem>>) dst(%dma_wait3A_14 : memref<128x768xf32, #tpu.memory_space<hbm>>)
      tpu.yield
    }) : () -> ()
    return
  }
}

#map = affine_map<(d0, d1) -> (0, 0)>
#map1 = affine_map<(d0, d1) -> (0)>
module attributes {stable_mosaic.version = 14 : i64} {
  func.func @k(%arg0: i32, %arg1: i32, %arg2: memref<2048x768xf32, #tpu.memory_space<hbm>>, %arg3: memref<4096xi32, #tpu.memory_space<hbm>>, %arg4: memref<4096xi32, #tpu.memory_space<hbm>>, %arg5: memref<8192x768xf32, #tpu.memory_space<hbm>>, %arg6: memref<128xi32, #tpu.memory_space<vmem>>, %arg7: memref<128xi32, #tpu.memory_space<vmem>>, %arg8: memref<128x768xf32, #tpu.memory_space<vmem>>, %arg9: memref<!tpu.dma_semaphore, #tpu.memory_space<semaphore_mem>>) attributes {dimension_semantics = [#tpu.dimension_semantics<core_parallel>, #tpu.dimension_semantics<subcore_parallel>], iteration_bounds = array<i64: 2, 16>, scalar_prefetch = 0 : i64, scratch_operands = 4 : i64, tpu.core_type = #tpu.core_type<sc_vector_subcore>, window_params = [{transform_indices = #map}, {transform_indices = #map1}, {transform_indices = #map1}, {transform_indices = #map}]} {
    %mul3A = arith.constant 2 : i32
    %mul3A_0 = arith.muli %arg1, %mul3A : i32
    %add3A = arith.addi %mul3A_0, %arg0 : i32
    %mul3A_1 = arith.constant 128 : i32
    %mul3A_2 = arith.muli %add3A, %mul3A_1 : i32
    "tpu.region"() ({
      %run_scoped3A = tpu.sem_alloc : memref<!tpu.dma_semaphore, #tpu.memory_space<semaphore_mem>>
      %dma_start3A_13 = tpu.memref_slice %arg3[%mul3A_2] : memref<4096xi32, #tpu.memory_space<hbm>> -> memref<128xi32, #tpu.memory_space<hbm>>
      %dma_start3A_14 = tpu.memref_slice %arg3[%mul3A_2] : memref<4096xi32, #tpu.memory_space<hbm>> -> memref<128xi32, #tpu.memory_space<hbm>>
      tpu.enqueue_dma source(%dma_start3A_14 : memref<128xi32, #tpu.memory_space<hbm>>) target(%arg6 : memref<128xi32, #tpu.memory_space<vmem>>) target_semaphore(%run_scoped3A : memref<!tpu.dma_semaphore, #tpu.memory_space<semaphore_mem>>)
      %dma_wait3A_15 = tpu.memref_slice %arg3[%mul3A_2] : memref<4096xi32, #tpu.memory_space<hbm>> -> memref<128xi32, #tpu.memory_space<hbm>>
      %dma_wait3A_16 = tpu.memref_slice %arg3[%mul3A_2] : memref<4096xi32, #tpu.memory_space<hbm>> -> memref<128xi32, #tpu.memory_space<hbm>>
      tpu.wait_dma2 semaphore(%run_scoped3A : memref<!tpu.dma_semaphore, #tpu.memory_space<semaphore_mem>>) src(%dma_wait3A_16 : memref<128xi32, #tpu.memory_space<hbm>>) dst(%arg6 : memref<128xi32, #tpu.memory_space<vmem>>)
      tpu.yield
    }) : () -> ()
    "tpu.region"() ({
      %run_scoped3A = tpu.sem_alloc : memref<!tpu.dma_semaphore, #tpu.memory_space<semaphore_mem>>
      %dma_start3A_13 = tpu.memref_slice %arg4[%mul3A_2] : memref<4096xi32, #tpu.memory_space<hbm>> -> memref<128xi32, #tpu.memory_space<hbm>>
      %dma_start3A_14 = tpu.memref_slice %arg4[%mul3A_2] : memref<4096xi32, #tpu.memory_space<hbm>> -> memref<128xi32, #tpu.memory_space<hbm>>
      tpu.enqueue_dma source(%dma_start3A_14 : memref<128xi32, #tpu.memory_space<hbm>>) target(%arg7 : memref<128xi32, #tpu.memory_space<vmem>>) target_semaphore(%run_scoped3A : memref<!tpu.dma_semaphore, #tpu.memory_space<semaphore_mem>>)
      %dma_wait3A_15 = tpu.memref_slice %arg4[%mul3A_2] : memref<4096xi32, #tpu.memory_space<hbm>> -> memref<128xi32, #tpu.memory_space<hbm>>
      %dma_wait3A_16 = tpu.memref_slice %arg4[%mul3A_2] : memref<4096xi32, #tpu.memory_space<hbm>> -> memref<128xi32, #tpu.memory_space<hbm>>
      tpu.wait_dma2 semaphore(%run_scoped3A : memref<!tpu.dma_semaphore, #tpu.memory_space<semaphore_mem>>) src(%dma_wait3A_16 : memref<128xi32, #tpu.memory_space<hbm>>) dst(%arg7 : memref<128xi32, #tpu.memory_space<vmem>>)
      tpu.yield
    }) : () -> ()
    %dma_start3A = arith.constant 0 : i32
    %dma_start3A_3 = arith.constant 0 : i32
    %dma_start3A_4 = tpu.memref_slice %arg2[%dma_start3A, %dma_start3A_3] : memref<2048x768xf32, #tpu.memory_space<hbm>> -> memref<2048x768xf32, #tpu.memory_space<hbm>>
    tpu.enqueue_indirect_dma source(%dma_start3A_4 : memref<2048x768xf32, #tpu.memory_space<hbm>>) target(%arg8 : memref<128x768xf32, #tpu.memory_space<vmem>>) offsets(%arg6 : memref<128xi32, #tpu.memory_space<vmem>>) semaphore(%arg9 : memref<!tpu.dma_semaphore, #tpu.memory_space<semaphore_mem>>)
    %dma_wait3A = arith.constant 0 : i32
    %dma_wait3A_5 = arith.constant 0 : i32
    %dma_wait3A_6 = tpu.memref_slice %arg2[%dma_wait3A, %dma_wait3A_5] : memref<2048x768xf32, #tpu.memory_space<hbm>> -> memref<2048x768xf32, #tpu.memory_space<hbm>>
    tpu.wait_indirect_dma semaphore(%arg9 : memref<!tpu.dma_semaphore, #tpu.memory_space<semaphore_mem>>) src(%dma_wait3A_6 : memref<2048x768xf32, #tpu.memory_space<hbm>>) dst(%arg8 : memref<128x768xf32, #tpu.memory_space<vmem>>)
    %dma_start3A_7 = arith.constant 0 : i32
    %dma_start3A_8 = arith.constant 0 : i32
    %dma_start3A_9 = tpu.memref_slice %arg5[%dma_start3A_7, %dma_start3A_8] : memref<8192x768xf32, #tpu.memory_space<hbm>> -> memref<8192x768xf32, #tpu.memory_space<hbm>>
    tpu.enqueue_indirect_dma source(%arg8 : memref<128x768xf32, #tpu.memory_space<vmem>>) target(%dma_start3A_9 : memref<8192x768xf32, #tpu.memory_space<hbm>>) offsets(%arg7 : memref<128xi32, #tpu.memory_space<vmem>>) semaphore(%arg9 : memref<!tpu.dma_semaphore, #tpu.memory_space<semaphore_mem>>)
    %dma_wait3A_10 = arith.constant 0 : i32
    %dma_wait3A_11 = arith.constant 0 : i32
    %dma_wait3A_12 = tpu.memref_slice %arg5[%dma_wait3A_10, %dma_wait3A_11] : memref<8192x768xf32, #tpu.memory_space<hbm>> -> memref<8192x768xf32, #tpu.memory_space<hbm>>
    tpu.wait_indirect_dma semaphore(%arg9 : memref<!tpu.dma_semaphore, #tpu.memory_space<semaphore_mem>>) src(%arg8 : memref<128x768xf32, #tpu.memory_space<vmem>>) dst(%dma_wait3A_12 : memref<8192x768xf32, #tpu.memory_space<hbm>>)
    return
  }
}

module attributes {stable_mosaic.version = 14 : i64} {
  func.func @_route_body(%arg0: memref<2048x768xf32, #tpu.memory_space<vmem>>, %arg1: memref<8x768xf32, #tpu.memory_space<vmem>>, %arg2: memref<1x8xf32, #tpu.memory_space<vmem>>, %arg3: memref<2048x2xi32, #tpu.memory_space<vmem>>, %arg4: memref<2048x2xf32, #tpu.memory_space<vmem>>) attributes {dimension_semantics = [], scalar_prefetch = 0 : i64, scratch_operands = 0 : i64, tpu.core_type = #tpu.core_type<tc>} {
    %get3A = arith.constant 0 : index
    %get3A_0 = arith.constant 0 : index
    %get3A_1 = vector.load %arg0[%get3A, %get3A_0] : memref<2048x768xf32, #tpu.memory_space<vmem>>, vector<2048x768xf32>
    %get3A_2 = arith.constant 0 : index
    %get3A_3 = arith.constant 0 : index
    %get3A_4 = vector.load %arg1[%get3A_2, %get3A_3] : memref<8x768xf32, #tpu.memory_space<vmem>>, vector<8x768xf32>
    %dot_general3A = arith.constant dense<0.000000e+00> : vector<2048x8xf32>
    %dot_general3A_5 = tpu.matmul %get3A_1, %get3A_4, %dot_general3A {dimension_numbers = #tpu.dot_dimension_numbers<[1], [1], [0], [0], [0, 0, 1, 0], [], []>, transpose_lhs_hint = false} : vector<2048x768xf32>, vector<8x768xf32>, vector<2048x8xf32> -> vector<2048x8xf32>
    %get3A_6 = arith.constant 0 : index
    %get3A_7 = arith.constant 0 : index
    %get3A_8 = vector.load %arg2[%get3A_6, %get3A_7] : memref<1x8xf32, #tpu.memory_space<vmem>>, vector<1x8xf32>
    %add3A = vector.broadcast %get3A_8 : vector<1x8xf32> to vector<2048x8xf32>
    %add3A_9 = arith.addf %dot_general3A_5, %add3A : vector<2048x8xf32>
    %iota3A = tpu.iota {dimensions = array<i32: 1>} : vector<2048x8xi32>
    %reduce_max3A = arith.constant dense<0xFF800000> : vector<2048xf32>
    %reduce_max3A_10 = vector.multi_reduction <maximumf>, %add3A_9, %reduce_max3A [1] : vector<2048x8xf32> to vector<2048xf32>
    %broadcast_in_dim3A = vector.shape_cast %reduce_max3A_10 : vector<2048xf32> to vector<2048x1xf32>
    %eq3A = vector.broadcast %broadcast_in_dim3A : vector<2048x1xf32> to vector<2048x8xf32>
    %eq3A_11 = arith.cmpf oeq, %add3A_9, %eq3A : vector<2048x8xf32>
    %jit3A = arith.constant 8 : i32
    %broadcast_in_dim3A_12 = vector.broadcast %jit3A : i32 to vector<2048x8xi32>
    %select_n3A = arith.select %eq3A_11, %iota3A, %broadcast_in_dim3A_12 : vector<2048x8xi1>, vector<2048x8xi32>
    %reduce_min3A = arith.constant dense<2147483647> : vector<2048xi32>
    %reduce_min3A_13 = vector.multi_reduction <minsi>, %select_n3A, %reduce_min3A [1] : vector<2048x8xi32> to vector<2048xi32>
    %broadcast_in_dim3A_14 = vector.shape_cast %reduce_min3A_13 : vector<2048xi32> to vector<2048x1xi32>
    %eq3A_15 = vector.broadcast %broadcast_in_dim3A_14 : vector<2048x1xi32> to vector<2048x8xi32>
    %eq3A_16 = arith.cmpi eq, %iota3A, %eq3A_15 : vector<2048x8xi32>
    %jit3A_17 = arith.constant 0xFF800000 : f32
    %broadcast_in_dim3A_18 = vector.broadcast %jit3A_17 : f32 to vector<2048x8xf32>
    %select_n3A_19 = arith.select %eq3A_16, %broadcast_in_dim3A_18, %add3A_9 : vector<2048x8xi1>, vector<2048x8xf32>
    %reduce_max3A_20 = arith.constant dense<0xFF800000> : vector<2048xf32>
    %reduce_max3A_21 = vector.multi_reduction <maximumf>, %select_n3A_19, %reduce_max3A_20 [1] : vector<2048x8xf32> to vector<2048xf32>
    %broadcast_in_dim3A_22 = vector.shape_cast %reduce_max3A_21 : vector<2048xf32> to vector<2048x1xf32>
    %eq3A_23 = vector.broadcast %broadcast_in_dim3A_22 : vector<2048x1xf32> to vector<2048x8xf32>
    %eq3A_24 = arith.cmpf oeq, %select_n3A_19, %eq3A_23 : vector<2048x8xf32>
    %jit3A_25 = arith.constant 8 : i32
    %broadcast_in_dim3A_26 = vector.broadcast %jit3A_25 : i32 to vector<2048x8xi32>
    %select_n3A_27 = arith.select %eq3A_24, %iota3A, %broadcast_in_dim3A_26 : vector<2048x8xi1>, vector<2048x8xi32>
    %reduce_min3A_28 = arith.constant dense<2147483647> : vector<2048xi32>
    %reduce_min3A_29 = vector.multi_reduction <minsi>, %select_n3A_27, %reduce_min3A_28 [1] : vector<2048x8xi32> to vector<2048xi32>
    %broadcast_in_dim3A_30 = vector.shape_cast %reduce_min3A_29 : vector<2048xi32> to vector<2048x1xi32>
    %sub3A = arith.subf %broadcast_in_dim3A_22, %broadcast_in_dim3A : vector<2048x1xf32>
    %exp3A = math.exp %sub3A : vector<2048x1xf32>
    %add3A_31 = arith.constant 1.000000e+00 : f32
    %add3A_32 = vector.broadcast %add3A_31 : f32 to vector<2048x1xf32>
    %add3A_33 = arith.addf %add3A_32, %exp3A : vector<2048x1xf32>
    %div3A = arith.constant 1.000000e+00 : f32
    %div3A_34 = vector.broadcast %div3A : f32 to vector<2048x1xf32>
    %div3A_35 = arith.divf %div3A_34, %add3A_33 : vector<2048x1xf32>
    %add3A_36 = arith.constant 1.000000e+00 : f32
    %add3A_37 = vector.broadcast %add3A_36 : f32 to vector<2048x1xf32>
    %add3A_38 = arith.addf %add3A_37, %exp3A : vector<2048x1xf32>
    %div3A_39 = arith.divf %exp3A, %add3A_38 : vector<2048x1xf32>
    %concatenate3A = tpu.concatenate %broadcast_in_dim3A_14, %broadcast_in_dim3A_30 in 1 : vector<2048x1xi32>, vector<2048x1xi32> -> vector<2048x2xi32>
    %swap3A = arith.constant 0 : index
    %swap3A_40 = arith.constant 0 : index
    %swap3A_41 = vector.load %arg3[%swap3A, %swap3A_40] : memref<2048x2xi32, #tpu.memory_space<vmem>>, vector<2048x2xi32>
    tpu.vector_store %arg3[%swap3A, %swap3A_40], %concatenate3A {strides = array<i32>} : memref<2048x2xi32, #tpu.memory_space<vmem>>, vector<2048x2xi32>,
    %concatenate3A_42 = tpu.concatenate %div3A_35, %div3A_39 in 1 : vector<2048x1xf32>, vector<2048x1xf32> -> vector<2048x2xf32>
    %swap3A_43 = arith.constant 0 : index
    %swap3A_44 = arith.constant 0 : index
    %swap3A_45 = vector.load %arg4[%swap3A_43, %swap3A_44] : memref<2048x2xf32, #tpu.memory_space<vmem>>, vector<2048x2xf32>
    tpu.vector_store %arg4[%swap3A_43, %swap3A_44], %concatenate3A_42 {strides = array<i32>} : memref<2048x2xf32, #tpu.memory_space<vmem>>, vector<2048x2xf32>,
    return
  }
}

module attributes {stable_mosaic.version = 14 : i64} {
  func.func @_ffn_body(%arg0: i32, %arg1: memref<16xi32, #tpu.memory_space<smem>>, %arg2: memref<16xi32, #tpu.memory_space<smem>>, %arg3: memref<512x768xf32, #tpu.memory_space<vmem>>, %arg4: memref<1x1536x768xf32, #tpu.memory_space<vmem>>, %arg5: memref<1x1x1536xf32, #tpu.memory_space<vmem>>, %arg6: memref<1x768x1536xf32, #tpu.memory_space<vmem>>, %arg7: memref<1x1x768xf32, #tpu.memory_space<vmem>>, %arg8: memref<512x768xf32, #tpu.memory_space<vmem>>, %arg9: memref<1536x768xbf16, #tpu.memory_space<vmem>>, %arg10: memref<768x1536xbf16, #tpu.memory_space<vmem>>) attributes {dimension_semantics = [#tpu.dimension_semantics<arbitrary>], iteration_bounds = array<i64: 16>, scalar_prefetch = 2 : i64, scratch_operands = 2 : i64, tpu.core_type = #tpu.core_type<tc>, window_params = [{transform_indices = @transform_0, window_bounds = array<i64: 512, 768>}, {transform_indices = @transform_1, window_bounds = array<i64: 1, 1536, 768>}, {transform_indices = @transform_2, window_bounds = array<i64: 1, 1, 1536>}, {transform_indices = @transform_3, window_bounds = array<i64: 1, 768, 1536>}, {transform_indices = @transform_4, window_bounds = array<i64: 1, 1, 768>}, {transform_indices = @transform_5, window_bounds = array<i64: 512, 768>}]} {
    %eq3A = arith.constant 0 : i32
    %eq3A_0 = arith.cmpi eq, %arg0, %eq3A : i32
    %get3A = arith.index_cast %arg0 : i32 to index
    %get3A_1 = memref.load %arg1[%get3A] : memref<16xi32, #tpu.memory_space<smem>>
    %sub3A = arith.constant 1 : i32
    %sub3A_2 = arith.subi %arg0, %sub3A : i32
    %max3A = arith.constant 0 : i32
    %max3A_3 = arith.maxsi %sub3A_2, %max3A : i32
    %get3A_4 = arith.index_cast %max3A_3 : i32 to index
    %get3A_5 = memref.load %arg1[%get3A_4] : memref<16xi32, #tpu.memory_space<smem>>
    %ne3A = arith.cmpi ne, %get3A_1, %get3A_5 : i32
    %or3A = arith.ori %eq3A_0, %ne3A : i1
    %get3A_6 = arith.index_cast %arg0 : i32 to index
    %get3A_7 = memref.load %arg2[%get3A_6] : memref<16xi32, #tpu.memory_space<smem>>
    %gt3A = arith.constant 0 : i32
    %gt3A_8 = arith.cmpi sgt, %get3A_7, %gt3A : i32
    %and3A = arith.andi %or3A, %gt3A_8 : i1
    %convert_element_type3A = arith.extui %and3A : i1 to i32
    %cond3A = arith.constant 0 : i32
    %cond3A_9 = arith.cmpi ne, %convert_element_type3A, %cond3A : i32
    scf.if %cond3A_9 {
      %get3A_17 = arith.constant 0 : index
      %get3A_18 = arith.constant 0 : index
      %get3A_19 = arith.constant 0 : index
      %get3A_20 = vector.load %arg4[%get3A_17, %get3A_18, %get3A_19] : memref<1x1536x768xf32, #tpu.memory_space<vmem>>, vector<1x1536x768xf32>
      %get3A_21 = vector.shape_cast %get3A_20 : vector<1x1536x768xf32> to vector<1536x768xf32>
      %convert_element_type3A_22 = arith.truncf %get3A_21 : vector<1536x768xf32> to vector<1536x768xbf16>
      %swap3A = arith.constant 0 : index
      %swap3A_23 = arith.constant 0 : index
      %swap3A_24 = vector.load %arg9[%swap3A, %swap3A_23] : memref<1536x768xbf16, #tpu.memory_space<vmem>>, vector<1536x768xbf16>
      tpu.vector_store %arg9[%swap3A, %swap3A_23], %convert_element_type3A_22 {strides = array<i32>} : memref<1536x768xbf16, #tpu.memory_space<vmem>>, vector<1536x768xbf16>,
      %get3A_25 = arith.constant 0 : index
      %get3A_26 = arith.constant 0 : index
      %get3A_27 = arith.constant 0 : index
      %get3A_28 = vector.load %arg6[%get3A_25, %get3A_26, %get3A_27] : memref<1x768x1536xf32, #tpu.memory_space<vmem>>, vector<1x768x1536xf32>
      %get3A_29 = vector.shape_cast %get3A_28 : vector<1x768x1536xf32> to vector<768x1536xf32>
      %convert_element_type3A_30 = arith.truncf %get3A_29 : vector<768x1536xf32> to vector<768x1536xbf16>
      %swap3A_31 = arith.constant 0 : index
      %swap3A_32 = arith.constant 0 : index
      %swap3A_33 = vector.load %arg10[%swap3A_31, %swap3A_32] : memref<768x1536xbf16, #tpu.memory_space<vmem>>, vector<768x1536xbf16>
      tpu.vector_store %arg10[%swap3A_31, %swap3A_32], %convert_element_type3A_30 {strides = array<i32>} : memref<768x1536xbf16, #tpu.memory_space<vmem>>, vector<768x1536xbf16>,
    } else {
    }
    %get3A_10 = arith.index_cast %arg0 : i32 to index
    %get3A_11 = memref.load %arg2[%get3A_10] : memref<16xi32, #tpu.memory_space<smem>>
    %gt3A_12 = arith.constant 0 : i32
    %gt3A_13 = arith.cmpi sgt, %get3A_11, %gt3A_12 : i32
    %convert_element_type3A_14 = arith.extui %gt3A_13 : i1 to i32
    %cond3A_15 = arith.constant 0 : i32
    %cond3A_16 = arith.cmpi ne, %convert_element_type3A_14, %cond3A_15 : i32
    scf.if %cond3A_16 {
      %get3A_17 = arith.constant 0 : index
      %get3A_18 = arith.constant 0 : index
      %get3A_19 = vector.load %arg3[%get3A_17, %get3A_18] : memref<512x768xf32, #tpu.memory_space<vmem>>, vector<256x768xf32>
      %convert_element_type3A_20 = arith.truncf %get3A_19 : vector<256x768xf32> to vector<256x768xbf16>
      %get3A_21 = arith.constant 256 : index
      %get3A_22 = arith.constant 0 : index
      %get3A_23 = vector.load %arg3[%get3A_21, %get3A_22] : memref<512x768xf32, #tpu.memory_space<vmem>>, vector<256x768xf32>
      %convert_element_type3A_24 = arith.truncf %get3A_23 : vector<256x768xf32> to vector<256x768xbf16>
      %get3A_25 = arith.constant 0 : index
      %get3A_26 = arith.constant 0 : index
      %get3A_27 = vector.load %arg9[%get3A_25, %get3A_26] : memref<1536x768xbf16, #tpu.memory_space<vmem>>, vector<1536x768xbf16>
      %dot_general3A = arith.constant dense<0.000000e+00> : vector<256x1536xf32>
      %dot_general3A_28 = tpu.matmul %convert_element_type3A_20, %get3A_27, %dot_general3A {dimension_numbers = #tpu.dot_dimension_numbers<[1], [1], [0], [0], [0, 0, 1, 0], [], []>, transpose_lhs_hint = false} : vector<256x768xbf16>, vector<1536x768xbf16>, vector<256x1536xf32> -> vector<256x1536xf32>
      %get3A_29 = arith.constant 0 : index
      %get3A_30 = arith.constant 0 : index
      %get3A_31 = arith.constant 0 : index
      %get3A_32 = vector.load %arg5[%get3A_29, %get3A_30, %get3A_31] : memref<1x1x1536xf32, #tpu.memory_space<vmem>>, vector<1x1x1536xf32>
      %get3A_33 = vector.shape_cast %get3A_32 : vector<1x1x1536xf32> to vector<1x1536xf32>
      %add3A = vector.broadcast %get3A_33 : vector<1x1536xf32> to vector<256x1536xf32>
      %add3A_34 = arith.addf %dot_general3A_28, %add3A : vector<256x1536xf32>
      %get3A_35 = arith.constant 0 : index
      %get3A_36 = arith.constant 0 : index
      %get3A_37 = vector.load %arg9[%get3A_35, %get3A_36] : memref<1536x768xbf16, #tpu.memory_space<vmem>>, vector<1536x768xbf16>
      %dot_general3A_38 = arith.constant dense<0.000000e+00> : vector<256x1536xf32>
      %dot_general3A_39 = tpu.matmul %convert_element_type3A_24, %get3A_37, %dot_general3A_38 {dimension_numbers = #tpu.dot_dimension_numbers<[1], [1], [0], [0], [0, 0, 1, 0], [], []>, transpose_lhs_hint = false} : vector<256x768xbf16>, vector<1536x768xbf16>, vector<256x1536xf32> -> vector<256x1536xf32>
      %get3A_40 = arith.constant 0 : index
      %get3A_41 = arith.constant 0 : index
      %get3A_42 = arith.constant 0 : index
      %get3A_43 = vector.load %arg5[%get3A_40, %get3A_41, %get3A_42] : memref<1x1x1536xf32, #tpu.memory_space<vmem>>, vector<1x1x1536xf32>
      %get3A_44 = vector.shape_cast %get3A_43 : vector<1x1x1536xf32> to vector<1x1536xf32>
      %add3A_45 = vector.broadcast %get3A_44 : vector<1x1536xf32> to vector<256x1536xf32>
      %add3A_46 = arith.addf %dot_general3A_39, %add3A_45 : vector<256x1536xf32>
      %max3A_47 = arith.constant 0.000000e+00 : f32
      %max3A_48 = vector.broadcast %max3A_47 : f32 to vector<256x1536xf32>
      %max3A_49 = arith.maximumf %add3A_34, %max3A_48 : vector<256x1536xf32>
      %convert_element_type3A_50 = arith.truncf %max3A_49 : vector<256x1536xf32> to vector<256x1536xbf16>
      %max3A_51 = arith.constant 0.000000e+00 : f32
      %max3A_52 = vector.broadcast %max3A_51 : f32 to vector<256x1536xf32>
      %max3A_53 = arith.maximumf %add3A_46, %max3A_52 : vector<256x1536xf32>
      %convert_element_type3A_54 = arith.truncf %max3A_53 : vector<256x1536xf32> to vector<256x1536xbf16>
      %get3A_55 = arith.constant 0 : index
      %get3A_56 = arith.constant 0 : index
      %get3A_57 = vector.load %arg10[%get3A_55, %get3A_56] : memref<768x1536xbf16, #tpu.memory_space<vmem>>, vector<768x1536xbf16>
      %dot_general3A_58 = arith.constant dense<0.000000e+00> : vector<256x768xf32>
      %dot_general3A_59 = tpu.matmul %convert_element_type3A_50, %get3A_57, %dot_general3A_58 {dimension_numbers = #tpu.dot_dimension_numbers<[1], [1], [0], [0], [0, 0, 1, 0], [], []>, transpose_lhs_hint = false} : vector<256x1536xbf16>, vector<768x1536xbf16>, vector<256x768xf32> -> vector<256x768xf32>
      %get3A_60 = arith.constant 0 : index
      %get3A_61 = arith.constant 0 : index
      %get3A_62 = arith.constant 0 : index
      %get3A_63 = vector.load %arg7[%get3A_60, %get3A_61, %get3A_62] : memref<1x1x768xf32, #tpu.memory_space<vmem>>, vector<1x1x768xf32>
      %get3A_64 = vector.shape_cast %get3A_63 : vector<1x1x768xf32> to vector<1x768xf32>
      %add3A_65 = vector.broadcast %get3A_64 : vector<1x768xf32> to vector<256x768xf32>
      %add3A_66 = arith.addf %dot_general3A_59, %add3A_65 : vector<256x768xf32>
      %swap3A = arith.constant 0 : index
      %swap3A_67 = arith.constant 0 : index
      %swap3A_68 = vector.load %arg8[%swap3A, %swap3A_67] : memref<512x768xf32, #tpu.memory_space<vmem>>, vector<256x768xf32>
      tpu.vector_store %arg8[%swap3A, %swap3A_67], %add3A_66 {strides = array<i32>} : memref<512x768xf32, #tpu.memory_space<vmem>>, vector<256x768xf32>,
      %get3A_69 = arith.constant 0 : index
      %get3A_70 = arith.constant 0 : index
      %get3A_71 = vector.load %arg10[%get3A_69, %get3A_70] : memref<768x1536xbf16, #tpu.memory_space<vmem>>, vector<768x1536xbf16>
      %dot_general3A_72 = arith.constant dense<0.000000e+00> : vector<256x768xf32>
      %dot_general3A_73 = tpu.matmul %convert_element_type3A_54, %get3A_71, %dot_general3A_72 {dimension_numbers = #tpu.dot_dimension_numbers<[1], [1], [0], [0], [0, 0, 1, 0], [], []>, transpose_lhs_hint = false} : vector<256x1536xbf16>, vector<768x1536xbf16>, vector<256x768xf32> -> vector<256x768xf32>
      %get3A_74 = arith.constant 0 : index
      %get3A_75 = arith.constant 0 : index
      %get3A_76 = arith.constant 0 : index
      %get3A_77 = vector.load %arg7[%get3A_74, %get3A_75, %get3A_76] : memref<1x1x768xf32, #tpu.memory_space<vmem>>, vector<1x1x768xf32>
      %get3A_78 = vector.shape_cast %get3A_77 : vector<1x1x768xf32> to vector<1x768xf32>
      %add3A_79 = vector.broadcast %get3A_78 : vector<1x768xf32> to vector<256x768xf32>
      %add3A_80 = arith.addf %dot_general3A_73, %add3A_79 : vector<256x768xf32>
      %swap3A_81 = arith.constant 256 : index
      %swap3A_82 = arith.constant 0 : index
      %swap3A_83 = vector.load %arg8[%swap3A_81, %swap3A_82] : memref<512x768xf32, #tpu.memory_space<vmem>>, vector<256x768xf32>
      tpu.vector_store %arg8[%swap3A_81, %swap3A_82], %add3A_80 {strides = array<i32>} : memref<512x768xf32, #tpu.memory_space<vmem>>, vector<256x768xf32>,
    } else {
    }
    return
  }
  func.func @transform_0(%arg0: i32, %arg1: memref<16xi32, #tpu.memory_space<smem>>, %arg2: memref<16xi32, #tpu.memory_space<smem>>) -> (i32, i32) {
    %c0_i32 = arith.constant 0 : i32
    %c0_i32_0 = arith.constant 0 : i32
    return %arg0, %c0_i32 : i32, i32
  }
  func.func @transform_1(%arg0: i32, %arg1: memref<16xi32, #tpu.memory_space<smem>>, %arg2: memref<16xi32, #tpu.memory_space<smem>>) -> (i32, i32, i32) {
    %get3A = arith.index_cast %arg0 : i32 to index
    %get3A_0 = memref.load %arg1[%get3A] : memref<16xi32, #tpu.memory_space<smem>>
    %c0_i32 = arith.constant 0 : i32
    %c0_i32_1 = arith.constant 0 : i32
    %c0_i32_2 = arith.constant 0 : i32
    return %get3A_0, %c0_i32, %c0_i32_1 : i32, i32, i32
  }
  func.func @transform_2(%arg0: i32, %arg1: memref<16xi32, #tpu.memory_space<smem>>, %arg2: memref<16xi32, #tpu.memory_space<smem>>) -> (i32, i32, i32) {
    %get3A = arith.index_cast %arg0 : i32 to index
    %get3A_0 = memref.load %arg1[%get3A] : memref<16xi32, #tpu.memory_space<smem>>
    %c0_i32 = arith.constant 0 : i32
    %c0_i32_1 = arith.constant 0 : i32
    %c0_i32_2 = arith.constant 0 : i32
    return %get3A_0, %c0_i32, %c0_i32_1 : i32, i32, i32
  }
  func.func @transform_3(%arg0: i32, %arg1: memref<16xi32, #tpu.memory_space<smem>>, %arg2: memref<16xi32, #tpu.memory_space<smem>>) -> (i32, i32, i32) {
    %get3A = arith.index_cast %arg0 : i32 to index
    %get3A_0 = memref.load %arg1[%get3A] : memref<16xi32, #tpu.memory_space<smem>>
    %c0_i32 = arith.constant 0 : i32
    %c0_i32_1 = arith.constant 0 : i32
    %c0_i32_2 = arith.constant 0 : i32
    return %get3A_0, %c0_i32, %c0_i32_1 : i32, i32, i32
  }
  func.func @transform_4(%arg0: i32, %arg1: memref<16xi32, #tpu.memory_space<smem>>, %arg2: memref<16xi32, #tpu.memory_space<smem>>) -> (i32, i32, i32) {
    %get3A = arith.index_cast %arg0 : i32 to index
    %get3A_0 = memref.load %arg1[%get3A] : memref<16xi32, #tpu.memory_space<smem>>
    %c0_i32 = arith.constant 0 : i32
    %c0_i32_1 = arith.constant 0 : i32
    %c0_i32_2 = arith.constant 0 : i32
    return %get3A_0, %c0_i32, %c0_i32_1 : i32, i32, i32
  }
  func.func @transform_5(%arg0: i32, %arg1: memref<16xi32, #tpu.memory_space<smem>>, %arg2: memref<16xi32, #tpu.memory_space<smem>>) -> (i32, i32) {
    %c0_i32 = arith.constant 0 : i32
    %c0_i32_0 = arith.constant 0 : i32
    return %arg0, %c0_i32 : i32, i32
  }
}

module attributes {stable_mosaic.version = 14 : i64} {
  func.func @_ln_body(%arg0: i32, %arg1: memref<512x768xf32, #tpu.memory_space<vmem>>, %arg2: memref<512x2xf32, #tpu.memory_space<vmem>>, %arg3: memref<512x768xf32, #tpu.memory_space<vmem>>, %arg4: memref<512x768xf32, #tpu.memory_space<vmem>>, %arg5: memref<1x768xf32, #tpu.memory_space<vmem>>, %arg6: memref<1x768xf32, #tpu.memory_space<vmem>>, %arg7: memref<512x768xf32, #tpu.memory_space<vmem>>) attributes {dimension_semantics = [#tpu.dimension_semantics<arbitrary>], iteration_bounds = array<i64: 4>, scalar_prefetch = 0 : i64, scratch_operands = 0 : i64, tpu.core_type = #tpu.core_type<tc>, window_params = [{transform_indices = @transform_0, window_bounds = array<i64: 512, 768>}, {transform_indices = @transform_1, window_bounds = array<i64: 512, 2>}, {transform_indices = @transform_2, window_bounds = array<i64: 512, 768>}, {transform_indices = @transform_3, window_bounds = array<i64: 512, 768>}, {pipeline_mode = #tpu.pipeline_mode<synchronous>, transform_indices = @transform_4, window_bounds = array<i64: 1, 768>}, {pipeline_mode = #tpu.pipeline_mode<synchronous>, transform_indices = @transform_5, window_bounds = array<i64: 1, 768>}, {transform_indices = @transform_6, window_bounds = array<i64: 512, 768>}]} {
    %get3A = arith.constant 0 : index
    %get3A_0 = arith.constant 0 : index
    %get3A_1 = vector.load %arg2[%get3A, %get3A_0] : memref<512x2xf32, #tpu.memory_space<vmem>>, vector<512x1xf32>
    %get3A_2 = arith.constant 0 : index
    %get3A_3 = arith.constant 1 : index
    %get3A_4 = vector.load %arg2[%get3A_2, %get3A_3] : memref<512x2xf32, #tpu.memory_space<vmem>>, vector<512x1xf32>
    %get3A_5 = arith.constant 0 : index
    %get3A_6 = arith.constant 0 : index
    %get3A_7 = vector.load %arg1[%get3A_5, %get3A_6] : memref<512x768xf32, #tpu.memory_space<vmem>>, vector<512x768xf32>
    %get3A_8 = arith.constant 0 : index
    %get3A_9 = arith.constant 0 : index
    %get3A_10 = vector.load %arg3[%get3A_8, %get3A_9] : memref<512x768xf32, #tpu.memory_space<vmem>>, vector<512x768xf32>
    %mul3A = vector.broadcast %get3A_1 : vector<512x1xf32> to vector<512x768xf32>
    %mul3A_11 = arith.mulf %mul3A, %get3A_10 : vector<512x768xf32>
    %add3A = arith.addf %get3A_7, %mul3A_11 : vector<512x768xf32>
    %get3A_12 = arith.constant 0 : index
    %get3A_13 = arith.constant 0 : index
    %get3A_14 = vector.load %arg4[%get3A_12, %get3A_13] : memref<512x768xf32, #tpu.memory_space<vmem>>, vector<512x768xf32>
    %mul3A_15 = vector.broadcast %get3A_4 : vector<512x1xf32> to vector<512x768xf32>
    %mul3A_16 = arith.mulf %mul3A_15, %get3A_14 : vector<512x768xf32>
    %add3A_17 = arith.addf %add3A, %mul3A_16 : vector<512x768xf32>
    %reduce_sum3A = arith.constant dense<0.000000e+00> : vector<512xf32>
    %reduce_sum3A_18 = vector.multi_reduction <add>, %add3A_17, %reduce_sum3A [1] : vector<512x768xf32> to vector<512xf32>
    %broadcast_in_dim3A = vector.shape_cast %reduce_sum3A_18 : vector<512xf32> to vector<512x1xf32>
    %div3A = arith.constant 7.680000e+02 : f32
    %div3A_19 = vector.broadcast %div3A : f32 to vector<512x1xf32>
    %div3A_20 = arith.divf %broadcast_in_dim3A, %div3A_19 : vector<512x1xf32>
    %sub3A = vector.broadcast %div3A_20 : vector<512x1xf32> to vector<512x768xf32>
    %sub3A_21 = arith.subf %add3A_17, %sub3A : vector<512x768xf32>
    %integer_pow3A = arith.mulf %sub3A_21, %sub3A_21 : vector<512x768xf32>
    %reduce_sum3A_22 = arith.constant dense<0.000000e+00> : vector<512xf32>
    %reduce_sum3A_23 = vector.multi_reduction <add>, %integer_pow3A, %reduce_sum3A_22 [1] : vector<512x768xf32> to vector<512xf32>
    %broadcast_in_dim3A_24 = vector.shape_cast %reduce_sum3A_23 : vector<512xf32> to vector<512x1xf32>
    %div3A_25 = arith.constant 7.680000e+02 : f32
    %div3A_26 = vector.broadcast %div3A_25 : f32 to vector<512x1xf32>
    %div3A_27 = arith.divf %broadcast_in_dim3A_24, %div3A_26 : vector<512x1xf32>
    %get3A_28 = arith.constant 0 : index
    %get3A_29 = arith.constant 0 : index
    %get3A_30 = vector.load %arg5[%get3A_28, %get3A_29] : memref<1x768xf32, #tpu.memory_space<vmem>>, vector<1x768xf32>
    %sub3A_31 = vector.broadcast %div3A_20 : vector<512x1xf32> to vector<512x768xf32>
    %sub3A_32 = arith.subf %add3A_17, %sub3A_31 : vector<512x768xf32>
    %mul3A_33 = vector.broadcast %get3A_30 : vector<1x768xf32> to vector<512x768xf32>
    %mul3A_34 = arith.mulf %mul3A_33, %sub3A_32 : vector<512x768xf32>
    %add3A_35 = arith.constant 9.99999974E-6 : f32
    %add3A_36 = vector.broadcast %add3A_35 : f32 to vector<512x1xf32>
    %add3A_37 = arith.addf %div3A_27, %add3A_36 : vector<512x1xf32>
    %rsqrt3A = math.rsqrt %add3A_37 : vector<512x1xf32>
    %mul3A_38 = vector.broadcast %rsqrt3A : vector<512x1xf32> to vector<512x768xf32>
    %mul3A_39 = arith.mulf %mul3A_34, %mul3A_38 : vector<512x768xf32>
    %get3A_40 = arith.constant 0 : index
    %get3A_41 = arith.constant 0 : index
    %get3A_42 = vector.load %arg6[%get3A_40, %get3A_41] : memref<1x768xf32, #tpu.memory_space<vmem>>, vector<1x768xf32>
    %add3A_43 = vector.broadcast %get3A_42 : vector<1x768xf32> to vector<512x768xf32>
    %add3A_44 = arith.addf %mul3A_39, %add3A_43 : vector<512x768xf32>
    %swap3A = arith.constant 0 : index
    %swap3A_45 = arith.constant 0 : index
    %swap3A_46 = vector.load %arg7[%swap3A, %swap3A_45] : memref<512x768xf32, #tpu.memory_space<vmem>>, vector<512x768xf32>
    tpu.vector_store %arg7[%swap3A, %swap3A_45], %add3A_44 {strides = array<i32>} : memref<512x768xf32, #tpu.memory_space<vmem>>, vector<512x768xf32>,
    return
  }
  func.func @transform_0(%arg0: i32) -> (i32, i32) {
    %c0_i32 = arith.constant 0 : i32
    %c0_i32_0 = arith.constant 0 : i32
    return %arg0, %c0_i32 : i32, i32
  }
  func.func @transform_1(%arg0: i32) -> (i32, i32) {
    %c0_i32 = arith.constant 0 : i32
    %c0_i32_0 = arith.constant 0 : i32
    return %arg0, %c0_i32 : i32, i32
  }
  func.func @transform_2(%arg0: i32) -> (i32, i32) {
    %c0_i32 = arith.constant 0 : i32
    %c0_i32_0 = arith.constant 0 : i32
    return %arg0, %c0_i32 : i32, i32
  }
  func.func @transform_3(%arg0: i32) -> (i32, i32) {
    %add3A = arith.constant 4 : i32
    %add3A_0 = arith.addi %arg0, %add3A : i32
    %c0_i32 = arith.constant 0 : i32
    %c0_i32_1 = arith.constant 0 : i32
    return %add3A_0, %c0_i32 : i32, i32
  }
  func.func @transform_4(%arg0: i32) -> (i32, i32) {
    %c0_i32 = arith.constant 0 : i32
    %c0_i32_0 = arith.constant 0 : i32
    %c0_i32_1 = arith.constant 0 : i32
    return %c0_i32, %c0_i32_0 : i32, i32
  }
  func.func @transform_5(%arg0: i32) -> (i32, i32) {
    %c0_i32 = arith.constant 0 : i32
    %c0_i32_0 = arith.constant 0 : i32
    %c0_i32_1 = arith.constant 0 : i32
    return %c0_i32, %c0_i32_0 : i32, i32
  }
  func.func @transform_6(%arg0: i32) -> (i32, i32) {
    %c0_i32 = arith.constant 0 : i32
    %c0_i32_0 = arith.constant 0 : i32
    return %arg0, %c0_i32 : i32, i32
  }
}

</mosaic_0001>

<sc_bundles>
// kernel: kernel.10.cloned.1.call-start
scs
__scs_entry_jumppad:
0x0: {  	(pc) =	sbr.rel $0x88, $3  }
0x1: {  	(tag) =	ssettag $0x0;
	lr =	simm.s32 $0x1  }
0x2: {  	[smem:$0x3F98] =	sst lr;
	_ =	strace $0xD0000000  }
0x3: {  	_ = 	snop  }
0x4: {  	_ = 	snop  }
0x5: {  	_ = 	snop  }
0x6: {  	_ = 	snop  }
0x7: {  	_ = 	snop  }
__scs_overlays_trampoline_lowered:
0x8: {  	[smem:$0x3FA7] =	sst s0  }
0x9: {  	[smem:$0x3FA8] =	sst s1  }
0xa: {  	[smem:$0x3FA9] =	sst s2  }
0xb: {  	[smem:$0x3FAA] =	sst s3  }
0xc: {  	[smem:$0x3FAB] =	sst s4  }
0xd: {  	[smem:$0x3FAC] =	sst s5  }
0xe: {  	[smem:$0x3FAD] =	sst s6  }
0xf: {  	[smem:$0x3FAE] =	sst s7  }
0x10: {  	[smem:$0x3FAF] =	sst s8  }
0x11: {  	[smem:$0x3FB0] =	sst s9;
	s0 =	simm.s32 @!p0 $0x0  }
0x12: {  	s1 =	sld [smem:$0x3F96];
	s0 =	simm.s32 @p0 $0x1  }
0x13: {  	[smem:$0x3FB1] =	sst s0;
	s0 =	simm.s32 @!p1 $0x0  }
0x14: {  	s2 =	sld [smem:$0x3F95];
	s0 =	simm.s32 @p1 $0x1  }
0x15: {  	[smem:$0x3FB2] =	sst s0;
	s0 =	simm.s32 @!p2 $0x0  }
0x16: {  	s3 =	sld [smem:$0x3FDB];
	s0 =	simm.s32 @p2 $0x1  }
0x17: {  	s4 =	simm.s32 $0x1BF5;
	[smem:$0x3FB4] =	sst s0  }
0x18: {  	s0 =	sld [smem:$0x3F97];
	_ =	swait.ge [sflag:s4], $0x0  }
0x19: {  	s7 =	sld [smem:$0x3F98]  }
0x1a: {  	s8 =	sadd.s32 $0xFFFFE003, lr  }
0x1b: {  	s9 =	sadd.s32 $0xFFFFFEF7, lr;
	s5 =	simm.s32 $0xFFFFFFFF;
	p2 =	slt.u32 s8, $0xFFFFF086  }
0x1c: {  	p1 =	slt.u32 s9, $0xF7A;
	s5 =	simm.s32 @!p2 $0x0  }
0x1d: {  	s5 =	simm.s32 @p1 $0x1;
	p0 =	seq.s32 s7, s2  }
0x1e: {  	s7 =	smul.u32 @!p0 $0xF7A, s2;
	p2 =	seq.s32 @!p0 s5, $0x0  }
0x1f: {  	s9 =	smul.u32 $0xF7A, s1;
	s8 =	simm.s32 @!p0 $0x1BF5;
	p2 =	por !p2, p0  }
0x20: {  	[sflag:s8] =	ssyncset.s32 @!p0 $0xFFFFF086;
	s6 =	sadd.s32 @!p0 s3, s7;
	s7 =	simm.s32 @!p0 $0x108  }
0x21: {  	s3 =	sadd.s32 s3, s9;
	s6 =	sadd.s32 @!p0 $0x88, s6;
	s7 =	simm.s32 @p2 $0x1082  }
0x22: {  	[simem:s7], [sflag:s8] =	dma.local @!p0 [hbm:s6], $0xF7A  }
0x23: {  	s9 =	sor.u32 $0xD0000000, s2;
	s6 =	simm.s32 $0x108;
	_ =	swait.ge @!p0 [sflag:s8], $0x0  }
0x24: {  	s3 =	sadd.s32 $0x88, s3;
	s6 =	simm.s32 @!p1 $0x1082;
	[sflag:s4] =	ssyncset.s32 $0xFFFFF086  }
0x25: {  	[simem:s6], [sflag:s4] =	dma.local [hbm:s3], $0xF7A  }
0x26: {  	[smem:$0x3F98] =	sst s1;
	(tag) =	ssettag s2;
	_ =	strace s9  }
0x27: {  	s1 =	sld [smem:$0x3FA8]  }
0x28: {  	s2 =	sld [smem:$0x3FA9]  }
0x29: {  	s4 =	sld [smem:$0x3FAB]  }
0x2a: {  	p0 =	seq.s32 s5, $0x0;
	s5 =	sld [smem:$0x3FAC]  }
0x2b: {  	s6 =	sld [smem:$0x3FAD]  }
0x2c: {  	s7 =	sld [smem:$0x3FAE]  }
0x2d: {  	s3 =	simm.s32 $0x108;
	s8 =	sld [smem:$0x3FAF]  }
0x2e: {  	s3 =	simm.s32 @!p0 $0x1082;
	s9 =	sld [smem:$0x3FB0]  }
0x2f: {  	lr =	sadd.s32 s0, s3;
	s0 =	sld [smem:$0x3FA7]  }
0x30: {  	s3 =	sld [smem:$0x3FAA]  }
0x31: {  	[smem:$0x3FB3] =	sst s10  }
0x32: {  	s10 =	sld [smem:$0x3FB1];
	_ =	sdelay $0x3  }
0x33: {  	p0 =	seq.s32 s10, $0x1;
	s10 =	sld [smem:$0x3FB3];
	_ =	sdelay $0x3  }
0x34: {  	[smem:$0x3FB3] =	sst s10  }
0x35: {  	s10 =	sld [smem:$0x3FB2];
	_ =	sdelay $0x3  }
0x36: {  	p1 =	seq.s32 s10, $0x1;
	s10 =	sld [smem:$0x3FB3];
	_ =	sdelay $0x3  }
0x37: {  	[smem:$0x3FB3] =	sst s10  }
0x38: {  	s10 =	sld [smem:$0x3FB4]  }
0x39: {  	_ = 	snop;
	(pc) =	sbr.ind lr, $3  }
0x3a: {  	_ = 	snop  }
0x3b: {  	_ = 	snop  }
0x3c: {  	p2 =	seq.s32 s10, $0x1;
	s10 =	sld [smem:$0x3FB3]  }
0x3d: {  	_ =	shalt  }
0x3e: {  	_ =	shalt  }
0x3f: {  	_ =	shalt  }
0x40: {  	_ =	shalt  }
0x41: {  	_ =	shalt  }
0x42: {  	_ =	shalt  }
0x43: {  	_ =	shalt  }
0x44: {  	_ =	shalt  }
0x45: {  	_ =	shalt  }
0x46: {  	_ =	shalt  }
0x47: {  	_ =	shalt  }
0x48: {  	_ =	shalt  }
0x49: {  	_ =	shalt  }
0x4a: {  	_ =	shalt  }
0x4b: {  	_ =	shalt  }
0x4c: {  	_ =	shalt  }
0x4d: {  	_ =	shalt  }
0x4e: {  	_ =	shalt  }
0x4f: {  	_ =	shalt  }
0x50: {  	_ =	shalt  }
0x51: {  	_ =	shalt  }
0x52: {  	_ =	shalt  }
0x53: {  	_ =	shalt  }
0x54: {  	_ =	shalt  }
0x55: {  	_ =	shalt  }
0x56: {  	_ =	shalt  }
0x57: {  	_ =	shalt  }
0x58: {  	_ =	shalt  }
0x59: {  	_ =	shalt  }
0x5a: {  	_ =	shalt  }
0x5b: {  	_ =	shalt  }
0x5c: {  	_ =	shalt  }
0x5d: {  	_ =	shalt  }
0x5e: {  	_ =	shalt  }
0x5f: {  	_ =	shalt  }
0x60: {  	_ =	shalt  }
0x61: {  	_ =	shalt  }
0x62: {  	_ =	shalt  }
0x63: {  	_ =	shalt  }
0x64: {  	_ =	shalt  }
0x65: {  	_ =	shalt  }
0x66: {  	_ =	shalt  }
0x67: {  	_ =	shalt  }
0x68: {  	_ =	shalt  }
0x69: {  	_ =	shalt  }
0x6a: {  	_ =	shalt  }
0x6b: {  	_ =	shalt  }
0x6c: {  	_ =	shalt  }
0x6d: {  	_ =	shalt  }
0x6e: {  	_ =	shalt  }
0x6f: {  	_ =	shalt  }
0x70: {  	_ =	shalt  }
0x71: {  	_ =	shalt  }
0x72: {  	_ =	shalt  }
0x73: {  	_ =	shalt  }
0x74: {  	_ =	shalt  }
0x75: {  	_ =	shalt  }
0x76: {  	_ =	shalt  }
0x77: {  	_ =	shalt  }
0x78: {  	_ =	shalt  }
0x79: {  	_ =	shalt  }
0x7a: {  	_ =	shalt  }
0x7b: {  	_ =	shalt  }
0x7c: {  	_ =	shalt  }
0x7d: {  	_ =	shalt  }
0x7e: {  	_ =	shalt  }
0x7f: {  	_ =	shalt  }
0x80: {  	_ =	shalt  }
0x81: {  	_ =	shalt  }
0x82: {  	_ =	shalt  }
0x83: {  	_ =	shalt  }
0x84: {  	_ =	shalt  }
0x85: {  	_ =	shalt  }
0x86: {  	_ =	shalt  }
0x87: {  	_ =	shalt  }
.Lfunc_end0:
.L_simem_size_0:
called_computation.1_lowered:
.L_overlay_start_0:
0x88: {  	s2 =	sld [smem:$0x3FD9]  }
0x89: {  	s3 =	sld [smem:$0x3FFE];
	_ =	sdelay $0x1  }
0x8a: {  	s1 =	srdreg.scid  }
0x8b: {  	s0 =	sand.u32 $0x1, s1  }
0x8c: {  	s16 =	sshll.u32 s0, $0xA;
	s2 =	sadd.s32 s3, s2  }
0x8d: {  	s2 =	sadd.s32 s2, s16  }
0x8e: {  	[smem:$0x3FBF] =	sst s2  }
0x8f: {  	_ = 	snop  }
0x90: {  	(tm) =	ssettm $0x1  }
0x91: {  	s17 =	sld [smem:$0x3FFB];
	_ =	sdelay $0x3  }
0x92: {  	_ =	strace s17  }
0x93: {  	s2 =	sld [smem:$0x3FFC];
	_ =	sdelay $0x3  }
0x94: {  	_ =	strace s2  }
0x95: {  	s2 =	sld [smem:$0x3FFD];
	_ =	sdelay $0x3  }
0x96: {  	_ =	strace s2  }
0x97: {  	_ =	strace $0x8FFFFFFF  }
0x98: {  	s18 =	sld [smem:$0x3FDB];
	_ =	sdelay $0x1  }
0x99: {  	s19 =	simm.s32 $_scs_section_size  }
0x9a: {  	s4 =	simm.s32 $_size__tile_overlayer_lowered;
	s5 =	simm.s32 $_tile_overlayer_lowered  }
0x9b: {  	s22 =	simm.s32 $0x1BFF;
	s21 =	sshll.u32 s5, $0x1;
	s2 =	sadd.s32 s19, s18  }
0x9c: {  	s6 =	simm.s32 $0x0;
	s20 =	sshll.u32 s4, $0x1;
	s4 =	sadd.s32 s21, s2  }
0x9d: {  	[timem:s6], [sflag:s22] =	dma.local [hbm:s4], s20  }
0x9e: {  	_ =	swait.ge [sflag:s22], s20  }
0x9f: {  	s3 =	ssub.s32 $0x0, s20;
	[sflag:s22] =	ssyncset.done $0x0  }
0xa0: {  	[sflag:s22] =	ssyncadd.s32 s3;
	_ =	sdelay $0x1  }
0xa1: {  	s23 =	simm.s32 $0x1B8B  }
0xa2: {  	_ =	swait.ge [sflag:s23], $0x1  }
0xa3: {  	[sflag:s23] =	ssyncset.done $0x0  }
0xa4: {  	s25 =	simm.s32 $0x1B8E;
	s24 =	sld [smem:$0x3FFE];
	[sflag:s23] =	ssyncadd.s32 $0xFFFFFFFF  }
0xa5: {  	s26 =	simm.s32 $execute0_lowered;
	[smem:$0x3FD2] =	sst s25  }
0xa6: {  	s4 =	sshll.u32 s26, $0x1;
	_ =	strace $0x80000049;
	[dreg:$0x1] =	wrdreg $0xFFFFFFFF  }
0xa7: {  	s28 =	simm.s32 $_size_execute0_lowered;
	s2 =	sadd.s32 s2, s4;
	[dreg:$0x0] =	wrdreg $0x0  }
0xa8: {  	s4 =	sshll.u32 s28, $0x1;
	[dreg:$0x2] =	wrdreg s2  }
0xa9: {  	[dreg:$0x3] =	wrdreg s4  }
0xaa: {  	[dreg:$0x4] =	wrdreg $0xC0  }
0xab: {  	_ =	task [dreg:s6], $0x5FFFF  }
0xac: {  	[dreg:$0x1] =	wrdreg $0xFFFFFFFF  }
0xad: {  	[dreg:$0x0] =	wrdreg $0x60  }
0xae: {  	[dreg:$0x2] =	wrdreg s24  }
0xaf: {  	[dreg:$0x3] =	wrdreg $0x9  }
0xb0: {  	_ =	task.clear_ibuf [dreg:s6], $0x4FFFF;
	_ =	strace $0x90000049  }
0xb1: {  	s29 =	simm.s32 $0x9;
	_ =	strace $0x8000004B  }
0xb2: {  	_ =	swait.ge [sflag:s29], $0x1  }
0xb3: {  	[sflag:s29] =	ssyncadd.s32 $0xFFFFFFFF  }
0xb4: {  	_ =	strace $0x9000004B  }
0xb5: {  	_ =	sfence  }
0xb6: {  	s30 =	sld [smem:$0x0];
	_ =	sdelay $0x2  }
0xb7: {  	s31 =	sshll.u32 s1, $0xD;
	s1 =	sshrl.u32 s1, $0x2  }
0xb8: {  	s3 =	sand.u32 $0x4000, s31;
	s1 =	sadd.s32 s1, s30  }
0xb9: {  	s0 =	sor.u32 s3, s0;
	s1 =	sshll.u32 s1, $0x11  }
0xba: {  	s0 =	sor.u32 s1, s0  }
0xbb: {  	s0 =	sadd.s32 $0x8F2B, s0  }
0xbc: {  	[sflag:s0] =	ssyncadd.remote.s32 $0x1  }
0xbd: {  	_ =	sfence.sel $0xFFFF  }
0xbe: {  	[dreg:$0x0] =	wrdreg $0xFFFFFFFF;
	(pc) =	sbr.abs _section_cstart, $3  }
0xbf: {  	[dreg:$0x1] =	wrdreg $0xFFFFFFFF  }
0xc0: {  	_ =	task.clear_ibuf [dreg:s6], $0x2FFFF;
	_ =	strace $0x9FFFFFFF  }
0xc1: {  	(tm) =	ssettm $0x7FFFFFFF  }
tec
execute0_lowered:
.L_overlay_start_1:
0x0: {  	(tag) =	ssettag $0x1  }
0x1: {  	s0 =	stileid.u32;
	s5 =	rddreg [dreg:$0x0];
	s2 =	simm.s32 $0x0  }
0x2: {  	s26 =	simm.s32 $0x880;
	s3 =	sshll.u32 s0, $0x5;
	[smem:$0x7FF] =	sst s2  }
0x3: {  	s0 =	simm.s32 $0x1080;
	_ =	strace $0x8000004A;
	[dreg:$0x4] =	wrdreg s26  }
0x4: {  	s6 =	simm.s32 $0x2080;
	[dreg:$0x5] =	wrdreg s0  }
0x5: {  	s7 =	simm.s32 $0x2880;
	[dreg:$0x7] =	wrdreg s6  }
0x6: {  	s8 =	simm.s32 $0x3080;
	[dreg:$0x8] =	wrdreg s7  }
0x7: {  	s9 =	simm.s32 $0x3880;
	[dreg:$0x9] =	wrdreg s8  }
0x8: {  	s10 =	simm.s32 $0x4080;
	[dreg:$0xa] =	wrdreg s9  }
0x9: {  	s11 =	simm.s32 $0x4880;
	[dreg:$0xb] =	wrdreg s10  }
0xa: {  	s12 =	simm.s32 $0x5080;
	[dreg:$0xc] =	wrdreg s11  }
0xb: {  	s13 =	simm.s32 $0x5880;
	[dreg:$0xd] =	wrdreg s12  }
0xc: {  	s14 =	simm.s32 $0x6080;
	[dreg:$0xe] =	wrdreg s13  }
0xd: {  	s15 =	simm.s32 $0x6880;
	[dreg:$0xf] =	wrdreg s14  }
0xe: {  	s16 =	simm.s32 $0x7080;
	[dreg:$0x10] =	wrdreg s15  }
0xf: {  	s1 =	srdreg.scid;
	s17 =	simm.s32 $0x7880;
	[dreg:$0x11] =	wrdreg s16  }
0x10: {  	s18 =	simm.s32 $0x8080;
	s19 =	simm.s32 $0x8880;
	[dreg:$0x12] =	wrdreg s17  }
0x11: {  	s20 =	simm.s32 $0x9080;
	s21 =	simm.s32 $0x9880;
	[dreg:$0x13] =	wrdreg s18  }
0x12: {  	s22 =	simm.s32 $0xA080;
	s23 =	simm.s32 $0xA880;
	[dreg:$0x14] =	wrdreg s19  }
0x13: {  	s24 =	simm.s32 $0xB880;
	s25 =	simm.s32 $0xC080;
	[dreg:$0x15] =	wrdreg s20  }
0x14: {  	s28 =	simm.s32 $0x16080;
	s29 =	simm.s32 $0x16880;
	[dreg:$0x16] =	wrdreg s21  }
0x15: {  	s30 =	simm.s32 $0x17080;
	s1 =	sand.u32 $0x1, s1;
	[dreg:$0x17] =	wrdreg s22  }
0x16: {  	s31 =	simm.s32 $0x17880;
	s4 =	sshll.u32 s1, $0x4;
	[dreg:$0x18] =	wrdreg s23  }
0x17: {  	s1 =	ssub.s32 $0x2, s1;
	s7 =	simm.s32 $0xB080;
	[dreg:$0x1a] =	wrdreg s24  }
0x18: {  	s8 =	simm.s32 $0x80;
	[dreg:$0x1b] =	wrdreg s25;
	s26 =	simm.s32 $0xC880  }
0x19: {  	s10 =	simm.s32 $0xD880;
	s11 =	simm.s32 $0xE080;
	s12 =	simm.s32 $0xE880  }
0x1a: {  	s13 =	simm.s32 $0xF080;
	s14 =	simm.s32 $0xF880;
	s15 =	simm.s32 $0x10080  }
0x1b: {  	s16 =	simm.s32 $0x10880;
	s17 =	simm.s32 $0x11080;
	s18 =	simm.s32 $0x11880  }
0x1c: {  	s19 =	simm.s32 $0x12080;
	s20 =	simm.s32 $0x12880;
	s21 =	simm.s32 $0x13080  }
0x1d: {  	s22 =	simm.s32 $0x13880;
	s23 =	simm.s32 $0x14080;
	s24 =	simm.s32 $0x14880  }
0x1e: {  	s25 =	simm.s32 $0x15080;
	s3 =	sor.u32 s4, s3;
	s6 =	sshrl.u32 s1, $0x1  }
0x1f: {  	[dreg:$0x19] =	wrdreg s7;
	s4 =	sadd.s32 s3, s5;
	s3 =	smul.u32 $0x300, s3  }
0x20: {  	s7 =	simm.s32 $0x2;
	[dreg:$0x1c] =	wrdreg s26;
	s4 =	sadd.s32 $0xC0600, s4  }
0x21: {  	s26 =	simm.s32 $0x15880;
	[dreg:$0x2] =	wrdreg s4;
	s3 =	sadd.s32 s5, s3  }
0x22: {  	v2 =	vlaneseq.u32;
	s1 =	ssub.s32 s1, s6;
	s4 =	simm.s32 $0x1880;
	[dreg:$0x3] =	wrdreg s3  }
0x23: {  	vm0 =	vmmov $0xffff;
	v1 =	vshrl.u32 v2, $0x3;
	s6 =	smax.u32 s1, $0x1;
	s1 =	simm.s32 $0x1;
	[dreg:$0x6] =	wrdreg s4  }
0x24: {  	v0 =	vand.u32 $0x7, v2;
	v2 =	vor.u32 $0x8, v2;
	v1 =	vmul.u32 $0x8, v1;
	s3 =	sadd.s32 $0xC0800, s5;
	s4 =	sadd.s32 $0xC0900, s5;
	s5 =	sadd.s32 $0xC0A00, s5  }
.LBB2_1:
0x25: {  	s0 =	rddreg [dreg:$0x2]  }
0x26: {  	[tilespmem:s2], [sflag:$0x2] =	stream.linear.gather [hbm4b:s0+s2], $0x80, $0x38;
	[tilespmem:$0x18080] =	vst v63  }
0x27: {  	_ =	swait.ge [sflag:s7], $0x80  }
0x28: {  	[sflag:s7] =	ssyncset.done $0x0  }
0x29: {  	[sflag:s7] =	ssyncadd.s32 $0xFFFFFF80  }
0x2a: {  	v3 =	vld [tilespmem:$0x0];
	_ =	sdelay $0x4  }
0x2b: {  	v4 =	vshrl.u32 v3, $0x3  }
0x2c: {  	v4 =	vmul.u32 $0x30, v4  }
0x2d: {  	v3 =	vand.u32 $0x7, v3  }
0x2e: {  	v3 =	vor.u32 v3, v4  }
0x2f: {  	v4 =	vperm.xlane v3, v0;
	_ =	sdelay $0x1  }
0x30: {  	v4 =	vadd.s32 v1, v4;
	_ =	sdelay $0x3  }
0x31: {  	v3 =	vperm.xlane v3, v2  }
0x32: {  	[tilespmem:s8], [sflag:$0x1] =	stream.indirect_vreg.gather [hbm4b:s3+s2], $0x80, v4, vm0, $0xb8;
	[tilespmem:$0x18080] =	vst v63  }
0x33: {  	s0 =	rddreg [dreg:$0x4];
	v3 =	vadd.s32 v1, v3  }
0x34: {  	[tilespmem:s0], [sflag:$0x1] =	stream.indirect_vreg.gather [hbm4b:s4+s2], $0x80, v4, vm0, $0xb8;
	[tilespmem:$0x18080] =	vst v63  }
0x35: {  	s9 =	rddreg [dreg:$0x5]  }
0x36: {  	[tilespmem:s9], [sflag:$0x1] =	stream.indirect_vreg.gather [hbm4b:s5+s2], $0x80, v4, vm0, $0xb8;
	[tilespmem:$0x18080] =	vst v63  }
0x37: {  	s0 =	rddreg [dreg:$0x6]  }
0x38: {  	[tilespmem:s0], [sflag:$0x1] =	stream.indirect_vreg.gather [hbm4b:s3+s2], $0x80, v3, vm0, $0xb8;
	[tilespmem:$0x18080] =	vst v63  }
0x39: {  	s9 =	rddreg [dreg:$0x7]  }
0x3a: {  	[tilespmem:s9], [sflag:$0x1] =	stream.indirect_vreg.gather [hbm4b:s4+s2], $0x80, v3, vm0, $0xb8;
	[tilespmem:$0x18080] =	vst v63  }
0x3b: {  	s0 =	rddreg [dreg:$0x8]  }
0x3c: {  	[tilespmem:s0], [sflag:$0x1] =	stream.indirect_vreg.gather [hbm4b:s5+s2], $0x80, v3, vm0, $0xb8;
	[tilespmem:$0x18080] =	vst v63  }
0x3d: {  	v3 =	vld [tilespmem:$0x10];
	_ =	sdelay $0x4  }
0x3e: {  	v57 =	vshrl.u32 v3, $0x3  }
0x3f: {  	v4 =	vmul.u32 $0x30, v57  }
0x40: {  	v3 =	vand.u32 $0x7, v3  }
0x41: {  	v3 =	vor.u32 v3, v4  }
0x42: {  	v4 =	vperm.xlane v3, v0;
	_ =	sdelay $0x1  }
0x43: {  	v4 =	vadd.s32 v1, v4;
	_ =	sdelay $0x3  }
0x44: {  	s0 =	rddreg [dreg:$0x9];
	v3 =	vperm.xlane v3, v2  }
0x45: {  	[tilespmem:s0], [sflag:$0x1] =	stream.indirect_vreg.gather [hbm4b:s3+s2], $0x80, v4, vm0, $0xb8;
	[tilespmem:$0x18080] =	vst v63  }
0x46: {  	s9 =	rddreg [dreg:$0xa];
	v3 =	vadd.s32 v1, v3  }
0x47: {  	[tilespmem:s9], [sflag:$0x1] =	stream.indirect_vreg.gather [hbm4b:s4+s2], $0x80, v4, vm0, $0xb8;
	[tilespmem:$0x18080] =	vst v63  }
0x48: {  	s0 =	rddreg [dreg:$0xb]  }
0x49: {  	[tilespmem:s0], [sflag:$0x1] =	stream.indirect_vreg.gather [hbm4b:s5+s2], $0x80, v4, vm0, $0xb8;
	[tilespmem:$0x18080] =	vst v63  }
0x4a: {  	s9 =	rddreg [dreg:$0xc]  }
0x4b: {  	[tilespmem:s9], [sflag:$0x1] =	stream.indirect_vreg.gather [hbm4b:s3+s2], $0x80, v3, vm0, $0xb8;
	[tilespmem:$0x18080] =	vst v63  }
0x4c: {  	s0 =	rddreg [dreg:$0xd]  }
0x4d: {  	[tilespmem:s0], [sflag:$0x1] =	stream.indirect_vreg.gather [hbm4b:s4+s2], $0x80, v3, vm0, $0xb8;
	[tilespmem:$0x18080] =	vst v63  }
0x4e: {  	s9 =	rddreg [dreg:$0xe]  }
0x4f: {  	[tilespmem:s9], [sflag:$0x1] =	stream.indirect_vreg.gather [hbm4b:s5+s2], $0x80, v3, vm0, $0xb8;
	[tilespmem:$0x18080] =	vst v63  }
0x50: {  	v3 =	vld [tilespmem:$0x20];
	_ =	sdelay $0x4  }
0x51: {  	v58 =	vshrl.u32 v3, $0x3  }
0x52: {  	v4 =	vmul.u32 $0x30, v58  }
0x53: {  	v3 =	vand.u32 $0x7, v3  }
0x54: {  	v3 =	vor.u32 v3, v4  }
0x55: {  	v4 =	vperm.xlane v3, v0;
	_ =	sdelay $0x1  }
0x56: {  	v4 =	vadd.s32 v1, v4;
	_ =	sdelay $0x3  }
0x57: {  	s0 =	rddreg [dreg:$0xf];
	v3 =	vperm.xlane v3, v2  }
0x58: {  	[tilespmem:s0], [sflag:$0x1] =	stream.indirect_vreg.gather [hbm4b:s3+s2], $0x80, v4, vm0, $0xb8;
	[tilespmem:$0x18080] =	vst v63  }
0x59: {  	s9 =	rddreg [dreg:$0x10];
	v3 =	vadd.s32 v1, v3  }
0x5a: {  	[tilespmem:s9], [sflag:$0x1] =	stream.indirect_vreg.gather [hbm4b:s4+s2], $0x80, v4, vm0, $0xb8;
	[tilespmem:$0x18080] =	vst v63  }
0x5b: {  	s0 =	rddreg [dreg:$0x11]  }
0x5c: {  	[tilespmem:s0], [sflag:$0x1] =	stream.indirect_vreg.gather [hbm4b:s5+s2], $0x80, v4, vm0, $0xb8;
	[tilespmem:$0x18080] =	vst v63  }
0x5d: {  	s9 =	rddreg [dreg:$0x12]  }
0x5e: {  	[tilespmem:s9], [sflag:$0x1] =	stream.indirect_vreg.gather [hbm4b:s3+s2], $0x80, v3, vm0, $0xb8;
	[tilespmem:$0x18080] =	vst v63  }
0x5f: {  	s0 =	rddreg [dreg:$0x13]  }
0x60: {  	[tilespmem:s0], [sflag:$0x1] =	stream.indirect_vreg.gather [hbm4b:s4+s2], $0x80, v3, vm0, $0xb8;
	[tilespmem:$0x18080] =	vst v63  }
0x61: {  	s9 =	rddreg [dreg:$0x14]  }
0x62: {  	[tilespmem:s9], [sflag:$0x1] =	stream.indirect_vreg.gather [hbm4b:s5+s2], $0x80, v3, vm0, $0xb8;
	[tilespmem:$0x18080] =	vst v63  }
0x63: {  	v3 =	vld [tilespmem:$0x30];
	_ =	sdelay $0x4  }
0x64: {  	v59 =	vshrl.u32 v3, $0x3  }
0x65: {  	v4 =	vmul.u32 $0x30, v59  }
0x66: {  	v3 =	vand.u32 $0x7, v3  }
0x67: {  	v3 =	vor.u32 v3, v4  }
0x68: {  	v4 =	vperm.xlane v3, v0;
	_ =	sdelay $0x1  }
0x69: {  	v4 =	vadd.s32 v1, v4;
	_ =	sdelay $0x3  }
0x6a: {  	s0 =	rddreg [dreg:$0x15];
	v3 =	vperm.xlane v3, v2  }
0x6b: {  	[tilespmem:s0], [sflag:$0x1] =	stream.indirect_vreg.gather [hbm4b:s3+s2], $0x80, v4, vm0, $0xb8;
	[tilespmem:$0x18080] =	vst v63  }
0x6c: {  	s9 =	rddreg [dreg:$0x16];
	v3 =	vadd.s32 v1, v3  }
0x6d: {  	[tilespmem:s9], [sflag:$0x1] =	stream.indirect_vreg.gather [hbm4b:s4+s2], $0x80, v4, vm0, $0xb8;
	[tilespmem:$0x18080] =	vst v63  }
0x6e: {  	s0 =	rddreg [dreg:$0x17]  }
0x6f: {  	[tilespmem:s0], [sflag:$0x1] =	stream.indirect_vreg.gather [hbm4b:s5+s2], $0x80, v4, vm0, $0xb8;
	[tilespmem:$0x18080] =	vst v63  }
0x70: {  	s9 =	rddreg [dreg:$0x18]  }
0x71: {  	[tilespmem:s9], [sflag:$0x1] =	stream.indirect_vreg.gather [hbm4b:s3+s2], $0x80, v3, vm0, $0xb8;
	[tilespmem:$0x18080] =	vst v63  }
0x72: {  	s0 =	rddreg [dreg:$0x19]  }
0x73: {  	[tilespmem:s0], [sflag:$0x1] =	stream.indirect_vreg.gather [hbm4b:s4+s2], $0x80, v3, vm0, $0xb8;
	[tilespmem:$0x18080] =	vst v63  }
0x74: {  	s9 =	rddreg [dreg:$0x1a]  }
0x75: {  	[tilespmem:s9], [sflag:$0x1] =	stream.indirect_vreg.gather [hbm4b:s5+s2], $0x80, v3, vm0, $0xb8;
	[tilespmem:$0x18080] =	vst v63  }
0x76: {  	v3 =	vld [tilespmem:$0x40];
	_ =	sdelay $0x4  }
0x77: {  	v60 =	vshrl.u32 v3, $0x3  }
0x78: {  	v4 =	vmul.u32 $0x30, v60  }
0x79: {  	v3 =	vand.u32 $0x7, v3  }
0x7a: {  	v3 =	vor.u32 v3, v4  }
0x7b: {  	v4 =	vperm.xlane v3, v0;
	_ =	sdelay $0x1  }
0x7c: {  	v4 =	vadd.s32 v1, v4;
	_ =	sdelay $0x3  }
0x7d: {  	s0 =	rddreg [dreg:$0x1b];
	v3 =	vperm.xlane v3, v2  }
0x7e: {  	[tilespmem:s0], [sflag:$0x1] =	stream.indirect_vreg.gather [hbm4b:s3+s2], $0x80, v4, vm0, $0xb8;
	[tilespmem:$0x18080] =	vst v63  }
0x7f: {  	s9 =	rddreg [dreg:$0x1c];
	v3 =	vadd.s32 v1, v3  }
0x80: {  	[tilespmem:s9], [sflag:$0x1] =	stream.indirect_vreg.gather [hbm4b:s4+s2], $0x80, v4, vm0, $0xb8;
	[tilespmem:$0x18080] =	vst v63  }
0x81: {  	s9 =	simm.s32 $0xD080  }
0x82: {  	[tilespmem:s9], [sflag:$0x1] =	stream.indirect_vreg.gather [hbm4b:s5+s2], $0x80, v4, vm0, $0xb8;
	[tilespmem:$0x18080] =	vst v63  }
0x83: {  	_ = 	snop  }
0x84: {  	[tilespmem:s10], [sflag:$0x1] =	stream.indirect_vreg.gather [hbm4b:s3+s2], $0x80, v3, vm0, $0xb8;
	[tilespmem:$0x18080] =	vst v63  }
0x85: {  	_ = 	snop  }
0x86: {  	[tilespmem:s11], [sflag:$0x1] =	stream.indirect_vreg.gather [hbm4b:s4+s2], $0x80, v3, vm0, $0xb8;
	[tilespmem:$0x18080] =	vst v63  }
0x87: {  	_ = 	snop  }
0x88: {  	[tilespmem:s12], [sflag:$0x1] =	stream.indirect_vreg.gather [hbm4b:s5+s2], $0x80, v3, vm0, $0xb8;
	[tilespmem:$0x18080] =	vst v63  }
0x89: {  	v3 =	vld [tilespmem:$0x50];
	_ =	sdelay $0x4  }
0x8a: {  	v61 =	vshrl.u32 v3, $0x3  }
0x8b: {  	v4 =	vmul.u32 $0x30, v61  }
0x8c: {  	v3 =	vand.u32 $0x7, v3  }
0x8d: {  	v3 =	vor.u32 v3, v4  }
0x8e: {  	v4 =	vperm.xlane v3, v0;
	_ =	sdelay $0x1  }
0x8f: {  	v4 =	vadd.s32 v1, v4;
	_ =	sdelay $0x3  }
0x90: {  	v3 =	vperm.xlane v3, v2  }
0x91: {  	[tilespmem:s13], [sflag:$0x1] =	stream.indirect_vreg.gather [hbm4b:s3+s2], $0x80, v4, vm0, $0xb8;
	[tilespmem:$0x18080] =	vst v63  }
0x92: {  	v3 =	vadd.s32 v1, v3  }
0x93: {  	[tilespmem:s14], [sflag:$0x1] =	stream.indirect_vreg.gather [hbm4b:s4+s2], $0x80, v4, vm0, $0xb8;
	[tilespmem:$0x18080] =	vst v63  }
0x94: {  	_ = 	snop  }
0x95: {  	[tilespmem:s15], [sflag:$0x1] =	stream.indirect_vreg.gather [hbm4b:s5+s2], $0x80, v4, vm0, $0xb8;
	[tilespmem:$0x18080] =	vst v63  }
0x96: {  	_ = 	snop  }
0x97: {  	[tilespmem:s16], [sflag:$0x1] =	stream.indirect_vreg.gather [hbm4b:s3+s2], $0x80, v3, vm0, $0xb8;
	[tilespmem:$0x18080] =	vst v63  }
0x98: {  	_ = 	snop  }
0x99: {  	[tilespmem:s17], [sflag:$0x1] =	stream.indirect_vreg.gather [hbm4b:s4+s2], $0x80, v3, vm0, $0xb8;
	[tilespmem:$0x18080] =	vst v63  }
0x9a: {  	_ = 	snop  }
0x9b: {  	[tilespmem:s18], [sflag:$0x1] =	stream.indirect_vreg.gather [hbm4b:s5+s2], $0x80, v3, vm0, $0xb8;
	[tilespmem:$0x18080] =	vst v63  }
0x9c: {  	v3 =	vld [tilespmem:$0x60];
	_ =	sdelay $0x4  }
0x9d: {  	v62 =	vshrl.u32 v3, $0x3  }
0x9e: {  	v4 =	vmul.u32 $0x30, v62  }
0x9f: {  	v3 =	vand.u32 $0x7, v3  }
0xa0: {  	v3 =	vor.u32 v3, v4  }
0xa1: {  	v4 =	vperm.xlane v3, v0;
	_ =	sdelay $0x1  }
0xa2: {  	v4 =	vadd.s32 v1, v4;
	_ =	sdelay $0x3  }
0xa3: {  	v3 =	vperm.xlane v3, v2  }
0xa4: {  	[tilespmem:s19], [sflag:$0x1] =	stream.indirect_vreg.gather [hbm4b:s3+s2], $0x80, v4, vm0, $0xb8;
	[tilespmem:$0x18080] =	vst v63  }
0xa5: {  	v3 =	vadd.s32 v1, v3  }
0xa6: {  	[tilespmem:s20], [sflag:$0x1] =	stream.indirect_vreg.gather [hbm4b:s4+s2], $0x80, v4, vm0, $0xb8;
	[tilespmem:$0x18080] =	vst v63  }
0xa7: {  	_ = 	snop  }
0xa8: {  	[tilespmem:s21], [sflag:$0x1] =	stream.indirect_vreg.gather [hbm4b:s5+s2], $0x80, v4, vm0, $0xb8;
	[tilespmem:$0x18080] =	vst v63  }
0xa9: {  	_ = 	snop  }
0xaa: {  	[tilespmem:s22], [sflag:$0x1] =	stream.indirect_vreg.gather [hbm4b:s3+s2], $0x80, v3, vm0, $0xb8;
	[tilespmem:$0x18080] =	vst v63  }
0xab: {  	_ = 	snop  }
0xac: {  	[tilespmem:s23], [sflag:$0x1] =	stream.indirect_vreg.gather [hbm4b:s4+s2], $0x80, v3, vm0, $0xb8;
	[tilespmem:$0x18080] =	vst v63  }
0xad: {  	_ = 	snop  }
0xae: {  	[tilespmem:s24], [sflag:$0x1] =	stream.indirect_vreg.gather [hbm4b:s5+s2], $0x80, v3, vm0, $0xb8;
	[tilespmem:$0x18080] =	vst v63  }
0xaf: {  	v3 =	vld [tilespmem:$0x70];
	_ =	sdelay $0x4  }
0xb0: {  	v63 =	vshrl.u32 v3, $0x3  }
0xb1: {  	v4 =	vmul.u32 $0x30, v63  }
0xb2: {  	v3 =	vand.u32 $0x7, v3  }
0xb3: {  	v3 =	vor.u32 v3, v4  }
0xb4: {  	v4 =	vperm.xlane v3, v0;
	_ =	sdelay $0x1  }
0xb5: {  	v4 =	vadd.s32 v1, v4;
	_ =	sdelay $0x3  }
0xb6: {  	v3 =	vperm.xlane v3, v2  }
0xb7: {  	[tilespmem:s25], [sflag:$0x1] =	stream.indirect_vreg.gather [hbm4b:s3+s2], $0x80, v4, vm0, $0xb8;
	[tilespmem:$0x18080] =	vst v63  }
0xb8: {  	v3 =	vadd.s32 v1, v3  }
0xb9: {  	[tilespmem:s26], [sflag:$0x1] =	stream.indirect_vreg.gather [hbm4b:s4+s2], $0x80, v4, vm0, $0xb8;
	[tilespmem:$0x18080] =	vst v63  }
0xba: {  	_ = 	snop  }
0xbb: {  	[tilespmem:s28], [sflag:$0x1] =	stream.indirect_vreg.gather [hbm4b:s5+s2], $0x80, v4, vm0, $0xb8;
	[tilespmem:$0x18080] =	vst v63  }
0xbc: {  	_ = 	snop  }
0xbd: {  	[tilespmem:s29], [sflag:$0x1] =	stream.indirect_vreg.gather [hbm4b:s3+s2], $0x80, v3, vm0, $0xb8;
	[tilespmem:$0x18080] =	vst v63  }
0xbe: {  	_ = 	snop  }
0xbf: {  	[tilespmem:s30], [sflag:$0x1] =	stream.indirect_vreg.gather [hbm4b:s4+s2], $0x80, v3, vm0, $0xb8;
	[tilespmem:$0x18080] =	vst v63  }
0xc0: {  	_ = 	snop  }
0xc1: {  	[tilespmem:s31], [sflag:$0x1] =	stream.indirect_vreg.gather [hbm4b:s5+s2], $0x80, v3, vm0, $0xb8;
	[tilespmem:$0x18080] =	vst v63  }
0xc2: {  	_ =	swait.ge [sflag:s1], $0x18000  }
0xc3: {  	p0 =	sne.s32 s6, $0x1;
	[sflag:s1] =	ssyncset.done $0x0  }
.Ltmp0:
0xc4: {  	s9 =	rddreg [dreg:$0x3];
	[sflag:s1] =	ssyncadd.s32 $0xFFFE8000;
	(pc) =	sbr.rel @p0 .LBB2_1-.Ltmp0, $4  }
0xc5: {  	[hbm4b:s9+s2] =	stream.linear.scatter [tilespmem:s8], [sflag:$0x2], $0x18000, $0x38;
	[tilespmem:$0x18080] =	vst v63  }
0xc6: {  	_ =	swait.ge [sflag:s7], $0x18000  }
0xc7: {  	[sflag:s7] =	ssyncset.done $0x0  }
0xc8: {  	s6 =	sadd.s32 $0xFFFFFFFF, s6;
	[sflag:s7] =	ssyncadd.s32 $0xFFFE8000  }
0xc9: {  	_ =	sfence.sel $0x180000  }
0xca: {  	[bflag:$0x0] =	sbarrier.arrive $0xFFFF  }
0xcb: {  	_ =	strace $0x9000004A  }
0xcc: {  	s0 =	stileid.u32;
	[bflag:$0x2] =	sbarrier.arrive $0xFFFF  }
0xcd: {  	p0 =	sne.s32 s0, $0x0;
	s0 =	rddreg [dreg:$0x1]  }
0xce: {  	s0 =	sadd.s32 @!p0 $0x100000, s0  }
0xcf: {  	[sflag:s0] =	ssyncadd.tile.s32 @!p0 $0x1;
	_ =	shalt  }
.Lfunc_end2:
_tile_overlayer_lowered:
.L_overlay_start_2:
0xd0: {  	(tag) =	ssettag $0x2  }
0xd1: {  	s0 =	rddreg [dreg:$0x0];
	s2 =	stileid.u32  }
0xd2: {  	s1 =	rddreg [dreg:$0x1];
	p0 =	sne.s32 s2, $0x0  }
0xd3: {  	s3 =	rddreg [dreg:$0x2];
	[bflag:$0x3] =	sbarrier.arrive $0xFFFF;
	s2 =	simm.s32 @!p0 $0x1C02  }
0xd4: {  	[timem:s3], [sflag:s2] =	dma.local @!p0 [hbm:s0], s1  }
0xd5: {  	s0 =	simm.s32 @!p0 $0x2  }
0xd6: {  	_ =	swait.ge @!p0 [sflag:s0], s1  }
0xd7: {  	s1 =	ssub.s32 @!p0 $0x0, s1;
	[sflag:s0] =	ssyncset.done @!p0 $0x0  }
0xd8: {  	[sflag:s0] =	ssyncadd.s32 @!p0 s1  }
0xd9: {  	[bflag:$0x3] =	sbarrier.arrive $0xFFFF  }
0xda: {  	_ =	shalt  }

// kernel: kernel.7.cloned.1.call-start
scs
__scs_entry_jumppad:
0x0: {  	(pc) =	sbr.rel $0x88, $3  }
0x1: {  	(tag) =	ssettag $0x0;
	lr =	simm.s32 $0x1  }
0x2: {  	[smem:$0x3F98] =	sst lr;
	_ =	strace $0xD0000000  }
0x3: {  	_ = 	snop  }
0x4: {  	_ = 	snop  }
0x5: {  	_ = 	snop  }
0x6: {  	_ = 	snop  }
0x7: {  	_ = 	snop  }
__scs_overlays_trampoline_lowered:
0x8: {  	[smem:$0x3FA7] =	sst s0  }
0x9: {  	[smem:$0x3FA8] =	sst s1  }
0xa: {  	[smem:$0x3FA9] =	sst s2  }
0xb: {  	[smem:$0x3FAA] =	sst s3  }
0xc: {  	[smem:$0x3FAB] =	sst s4  }
0xd: {  	[smem:$0x3FAC] =	sst s5  }
0xe: {  	[smem:$0x3FAD] =	sst s6  }
0xf: {  	[smem:$0x3FAE] =	sst s7  }
0x10: {  	[smem:$0x3FAF] =	sst s8  }
0x11: {  	[smem:$0x3FB0] =	sst s9;
	s0 =	simm.s32 @!p0 $0x0  }
0x12: {  	s1 =	sld [smem:$0x3F96];
	s0 =	simm.s32 @p0 $0x1  }
0x13: {  	[smem:$0x3FB1] =	sst s0;
	s0 =	simm.s32 @!p1 $0x0  }
0x14: {  	s2 =	sld [smem:$0x3F95];
	s0 =	simm.s32 @p1 $0x1  }
0x15: {  	[smem:$0x3FB2] =	sst s0;
	s0 =	simm.s32 @!p2 $0x0  }
0x16: {  	s3 =	sld [smem:$0x3FDB];
	s0 =	simm.s32 @p2 $0x1  }
0x17: {  	s4 =	simm.s32 $0x1BF5;
	[smem:$0x3FB4] =	sst s0  }
0x18: {  	s0 =	sld [smem:$0x3F97];
	_ =	swait.ge [sflag:s4], $0x0  }
0x19: {  	s7 =	sld [smem:$0x3F98]  }
0x1a: {  	s8 =	sadd.s32 $0xFFFFE003, lr  }
0x1b: {  	s9 =	sadd.s32 $0xFFFFFEF7, lr;
	s5 =	simm.s32 $0xFFFFFFFF;
	p2 =	slt.u32 s8, $0xFFFFF086  }
0x1c: {  	p1 =	slt.u32 s9, $0xF7A;
	s5 =	simm.s32 @!p2 $0x0  }
0x1d: {  	s5 =	simm.s32 @p1 $0x1;
	p0 =	seq.s32 s7, s2  }
0x1e: {  	s7 =	smul.u32 @!p0 $0xF7A, s2;
	p2 =	seq.s32 @!p0 s5, $0x0  }
0x1f: {  	s9 =	smul.u32 $0xF7A, s1;
	s8 =	simm.s32 @!p0 $0x1BF5;
	p2 =	por !p2, p0  }
0x20: {  	[sflag:s8] =	ssyncset.s32 @!p0 $0xFFFFF086;
	s6 =	sadd.s32 @!p0 s3, s7;
	s7 =	simm.s32 @!p0 $0x108  }
0x21: {  	s3 =	sadd.s32 s3, s9;
	s6 =	sadd.s32 @!p0 $0x88, s6;
	s7 =	simm.s32 @p2 $0x1082  }
0x22: {  	[simem:s7], [sflag:s8] =	dma.local @!p0 [hbm:s6], $0xF7A  }
0x23: {  	s9 =	sor.u32 $0xD0000000, s2;
	s6 =	simm.s32 $0x108;
	_ =	swait.ge @!p0 [sflag:s8], $0x0  }
0x24: {  	s3 =	sadd.s32 $0x88, s3;
	s6 =	simm.s32 @!p1 $0x1082;
	[sflag:s4] =	ssyncset.s32 $0xFFFFF086  }
0x25: {  	[simem:s6], [sflag:s4] =	dma.local [hbm:s3], $0xF7A  }
0x26: {  	[smem:$0x3F98] =	sst s1;
	(tag) =	ssettag s2;
	_ =	strace s9  }
0x27: {  	s1 =	sld [smem:$0x3FA8]  }
0x28: {  	s2 =	sld [smem:$0x3FA9]  }
0x29: {  	s4 =	sld [smem:$0x3FAB]  }
0x2a: {  	p0 =	seq.s32 s5, $0x0;
	s5 =	sld [smem:$0x3FAC]  }
0x2b: {  	s6 =	sld [smem:$0x3FAD]  }
0x2c: {  	s7 =	sld [smem:$0x3FAE]  }
0x2d: {  	s3 =	simm.s32 $0x108;
	s8 =	sld [smem:$0x3FAF]  }
0x2e: {  	s3 =	simm.s32 @!p0 $0x1082;
	s9 =	sld [smem:$0x3FB0]  }
0x2f: {  	lr =	sadd.s32 s0, s3;
	s0 =	sld [smem:$0x3FA7]  }
0x30: {  	s3 =	sld [smem:$0x3FAA]  }
0x31: {  	[smem:$0x3FB3] =	sst s10  }
0x32: {  	s10 =	sld [smem:$0x3FB1];
	_ =	sdelay $0x3  }
0x33: {  	p0 =	seq.s32 s10, $0x1;
	s10 =	sld [smem:$0x3FB3];
	_ =	sdelay $0x3  }
0x34: {  	[smem:$0x3FB3] =	sst s10  }
0x35: {  	s10 =	sld [smem:$0x3FB2];
	_ =	sdelay $0x3  }
0x36: {  	p1 =	seq.s32 s10, $0x1;
	s10 =	sld [smem:$0x3FB3];
	_ =	sdelay $0x3  }
0x37: {  	[smem:$0x3FB3] =	sst s10  }
0x38: {  	s10 =	sld [smem:$0x3FB4]  }
0x39: {  	_ = 	snop;
	(pc) =	sbr.ind lr, $3  }
0x3a: {  	_ = 	snop  }
0x3b: {  	_ = 	snop  }
0x3c: {  	p2 =	seq.s32 s10, $0x1;
	s10 =	sld [smem:$0x3FB3]  }
0x3d: {  	_ =	shalt  }
0x3e: {  	_ =	shalt  }
0x3f: {  	_ =	shalt  }
0x40: {  	_ =	shalt  }
0x41: {  	_ =	shalt  }
0x42: {  	_ =	shalt  }
0x43: {  	_ =	shalt  }
0x44: {  	_ =	shalt  }
0x45: {  	_ =	shalt  }
0x46: {  	_ =	shalt  }
0x47: {  	_ =	shalt  }
0x48: {  	_ =	shalt  }
0x49: {  	_ =	shalt  }
0x4a: {  	_ =	shalt  }
0x4b: {  	_ =	shalt  }
0x4c: {  	_ =	shalt  }
0x4d: {  	_ =	shalt  }
0x4e: {  	_ =	shalt  }
0x4f: {  	_ =	shalt  }
0x50: {  	_ =	shalt  }
0x51: {  	_ =	shalt  }
0x52: {  	_ =	shalt  }
0x53: {  	_ =	shalt  }
0x54: {  	_ =	shalt  }
0x55: {  	_ =	shalt  }
0x56: {  	_ =	shalt  }
0x57: {  	_ =	shalt  }
0x58: {  	_ =	shalt  }
0x59: {  	_ =	shalt  }
0x5a: {  	_ =	shalt  }
0x5b: {  	_ =	shalt  }
0x5c: {  	_ =	shalt  }
0x5d: {  	_ =	shalt  }
0x5e: {  	_ =	shalt  }
0x5f: {  	_ =	shalt  }
0x60: {  	_ =	shalt  }
0x61: {  	_ =	shalt  }
0x62: {  	_ =	shalt  }
0x63: {  	_ =	shalt  }
0x64: {  	_ =	shalt  }
0x65: {  	_ =	shalt  }
0x66: {  	_ =	shalt  }
0x67: {  	_ =	shalt  }
0x68: {  	_ =	shalt  }
0x69: {  	_ =	shalt  }
0x6a: {  	_ =	shalt  }
0x6b: {  	_ =	shalt  }
0x6c: {  	_ =	shalt  }
0x6d: {  	_ =	shalt  }
0x6e: {  	_ =	shalt  }
0x6f: {  	_ =	shalt  }
0x70: {  	_ =	shalt  }
0x71: {  	_ =	shalt  }
0x72: {  	_ =	shalt  }
0x73: {  	_ =	shalt  }
0x74: {  	_ =	shalt  }
0x75: {  	_ =	shalt  }
0x76: {  	_ =	shalt  }
0x77: {  	_ =	shalt  }
0x78: {  	_ =	shalt  }
0x79: {  	_ =	shalt  }
0x7a: {  	_ =	shalt  }
0x7b: {  	_ =	shalt  }
0x7c: {  	_ =	shalt  }
0x7d: {  	_ =	shalt  }
0x7e: {  	_ =	shalt  }
0x7f: {  	_ =	shalt  }
0x80: {  	_ =	shalt  }
0x81: {  	_ =	shalt  }
0x82: {  	_ =	shalt  }
0x83: {  	_ =	shalt  }
0x84: {  	_ =	shalt  }
0x85: {  	_ =	shalt  }
0x86: {  	_ =	shalt  }
0x87: {  	_ =	shalt  }
.Lfunc_end0:
.L_simem_size_0:
called_computation_lowered:
.L_overlay_start_0:
0x88: {  	s2 =	sld [smem:$0x3FD9]  }
0x89: {  	s3 =	sld [smem:$0x3FFE];
	_ =	sdelay $0x1  }
0x8a: {  	s1 =	srdreg.scid  }
0x8b: {  	s0 =	sand.u32 $0x1, s1  }
0x8c: {  	s17 =	sshll.u32 s0, $0xA;
	s2 =	sadd.s32 s3, s2  }
0x8d: {  	s2 =	sadd.s32 s2, s17  }
0x8e: {  	[smem:$0x3FBF] =	sst s2  }
0x8f: {  	_ = 	snop  }
0x90: {  	s2 =	sld [smem:$0x3FC9]  }
0x91: {  	s18 =	sld [smem:$0x3FD0];
	(tm) =	ssettm $0x1  }
0x92: {  	s4 =	sld [smem:$0x3FFB];
	_ =	sdelay $0x3  }
0x93: {  	_ =	strace s4  }
0x94: {  	s4 =	sld [smem:$0x3FFC];
	_ =	sdelay $0x3  }
0x95: {  	_ =	strace s4  }
0x96: {  	s4 =	sld [smem:$0x3FFD];
	_ =	sdelay $0x3  }
0x97: {  	_ =	strace s4  }
0x98: {  	_ =	strace $0x8FFFFFFF  }
0x99: {  	s19 =	sld [smem:$0x3FDB];
	_ =	sdelay $0x1  }
0x9a: {  	s5 =	simm.s32 $_scs_section_size  }
0x9b: {  	s6 =	simm.s32 $_size__tile_overlayer_lowered;
	s7 =	simm.s32 $_tile_overlayer_lowered  }
0x9c: {  	s22 =	simm.s32 $0x1BFF;
	s21 =	sshll.u32 s7, $0x1;
	s4 =	sadd.s32 s5, s19  }
0x9d: {  	s8 =	simm.s32 $0x0;
	s20 =	sshll.u32 s6, $0x1;
	s6 =	sadd.s32 s21, s4  }
0x9e: {  	[timem:s8], [sflag:s22] =	dma.local [hbm:s6], s20  }
0x9f: {  	_ =	swait.ge [sflag:s22], s20  }
0xa0: {  	s5 =	ssub.s32 $0x0, s20;
	[sflag:s22] =	ssyncset.done $0x0  }
0xa1: {  	[sflag:s22] =	ssyncadd.s32 s5;
	_ =	sdelay $0x1  }
0xa2: {  	s23 =	simm.s32 $0x1B8B  }
0xa3: {  	_ =	swait.ge [sflag:s23], $0x1  }
0xa4: {  	[sflag:s23] =	ssyncset.done $0x0  }
0xa5: {  	s25 =	simm.s32 $0x1B8E;
	s24 =	sld [smem:$0x3FFE];
	[sflag:s23] =	ssyncadd.s32 $0xFFFFFFFF  }
0xa6: {  	s26 =	simm.s32 $execute0_lowered;
	[smem:$0x3FD2] =	sst s25  }
0xa7: {  	s6 =	sshll.u32 s26, $0x1;
	_ =	strace $0x80000046;
	[dreg:$0x1] =	wrdreg $0xFFFFFFFF  }
0xa8: {  	s28 =	simm.s32 $_size_execute0_lowered;
	s4 =	sadd.s32 s4, s6;
	[dreg:$0x0] =	wrdreg $0x0  }
0xa9: {  	s6 =	sshll.u32 s28, $0x1;
	[dreg:$0x2] =	wrdreg s4  }
0xaa: {  	[dreg:$0x3] =	wrdreg s6  }
0xab: {  	[dreg:$0x4] =	wrdreg $0xC0  }
0xac: {  	_ =	task [dreg:s8], $0x5FFFF  }
0xad: {  	[dreg:$0x1] =	wrdreg $0xFFFFFFFF  }
0xae: {  	[dreg:$0x0] =	wrdreg $0x60  }
0xaf: {  	[dreg:$0x2] =	wrdreg s2  }
0xb0: {  	[dreg:$0x3] =	wrdreg s18  }
0xb1: {  	[dreg:$0x4] =	wrdreg s24  }
0xb2: {  	[dreg:$0x5] =	wrdreg $0x9  }
0xb3: {  	_ =	task.clear_ibuf [dreg:s8], $0x6FFFF;
	_ =	strace $0x90000046  }
0xb4: {  	s29 =	simm.s32 $0x9;
	_ =	strace $0x80000048  }
0xb5: {  	_ =	swait.ge [sflag:s29], $0x1  }
0xb6: {  	[sflag:s29] =	ssyncadd.s32 $0xFFFFFFFF  }
0xb7: {  	_ =	strace $0x90000048  }
0xb8: {  	_ =	sfence  }
0xb9: {  	s30 =	sld [smem:$0x0];
	_ =	sdelay $0x2  }
0xba: {  	s31 =	sshll.u32 s1, $0xD;
	s1 =	sshrl.u32 s1, $0x2  }
0xbb: {  	s3 =	sand.u32 $0x4000, s31;
	s1 =	sadd.s32 s1, s30  }
0xbc: {  	s0 =	sor.u32 s3, s0;
	s1 =	sshll.u32 s1, $0x11  }
0xbd: {  	s0 =	sor.u32 s1, s0  }
0xbe: {  	s0 =	sadd.s32 $0x8F2B, s0  }
0xbf: {  	[sflag:s0] =	ssyncadd.remote.s32 $0x1  }
0xc0: {  	_ =	sfence.sel $0xFFFF  }
0xc1: {  	[dreg:$0x0] =	wrdreg $0xFFFFFFFF;
	(pc) =	sbr.abs _section_cstart, $3  }
0xc2: {  	[dreg:$0x1] =	wrdreg $0xFFFFFFFF  }
0xc3: {  	_ =	task.clear_ibuf [dreg:s8], $0x2FFFF;
	_ =	strace $0x9FFFFFFF  }
0xc4: {  	(tm) =	ssettm $0x7FFFFFFF  }
0xc5: {  	_ =	shalt  }
tec
execute0_lowered:
.L_overlay_start_1:
0x0: {  	(tag) =	ssettag $0x1  }
0x1: {  	s1 =	rddreg [dreg:$0x0]  }
0x2: {  	s0 =	rddreg [dreg:$0x1]  }
0x3: {  	s2 =	rddreg [dreg:$0x2];
	s3 =	srdreg.scid  }
0x4: {  	s5 =	stileid.u32;
	s26 =	simm.s32 $0x80;
	s15 =	simm.s32 $0x1  }
0x5: {  	s18 =	simm.s32 $0x1100;
	s19 =	simm.s32 $0x1900;
	s20 =	simm.s32 $0x2100  }
0x6: {  	s21 =	simm.s32 $0x2900;
	s22 =	simm.s32 $0x3100;
	s23 =	simm.s32 $0x3900  }
0x7: {  	s28 =	simm.s32 $0x5900;
	s29 =	simm.s32 $0x6100;
	s30 =	simm.s32 $0x6900  }
0x8: {  	s31 =	simm.s32 $0x7100;
	s11 =	simm.s32 $0x8900;
	s12 =	simm.s32 $0x9100  }
0x9: {  	s13 =	simm.s32 $0x9900;
	s14 =	simm.s32 $0xA100;
	s10 =	simm.s32 $0xA900  }
0xa: {  	s4 =	sand.u32 $0x1, s3;
	s3 =	simm.s32 $0x0;
	s5 =	sshll.u32 s5, $0x5  }
0xb: {  	s8 =	sadd.s32 $0x400, s2;
	s6 =	sshll.u32 s4, $0x4;
	[smem:$0x7FF] =	sst s3  }
0xc: {  	s24 =	ssub.s32 $0x2, s4;
	s4 =	sadd.s32 $0x200, s2;
	s5 =	sor.u32 s6, s5  }
0xd: {  	_ =	strace $0x80000047;
	s7 =	sshrl.u32 s24, $0x1;
	s6 =	sadd.s32 $0x200, s1  }
0xe: {  	[dreg:$0x6] =	wrdreg s26;
	s26 =	simm.s32 $0x5100;
	s0 =	sadd.s32 s0, s5  }
0xf: {  	v2 =	vlaneseq.u32;
	s25 =	sadd.s32 s2, s5;
	s9 =	ssub.s32 s24, s7;
	s5 =	sadd.s32 $0x100, s1  }
0x10: {  	vm0 =	vmmov $0xffff;
	v1 =	vshrl.u32 v2, $0x3;
	s7 =	sadd.s32 $0x300, s2;
	s24 =	simm.s32 $0x4100;
	[dreg:$0x4] =	wrdreg s0  }
0x11: {  	v0 =	vand.u32 $0x7, v2;
	v2 =	vor.u32 $0x8, v2;
	v1 =	vmul.u32 $0x8, v1;
	[dreg:$0x5] =	wrdreg s25;
	s9 =	smax.u32 s9, $0x1;
	s25 =	simm.s32 $0x4900  }
.LBB2_1:
0x12: {  	s16 =	rddreg [dreg:$0x4];
	s0 =	simm.s32 $0x2  }
0x13: {  	[tilespmem:s3], [sflag:$0x2] =	stream.linear.gather [hbm4b:s16+s3], $0x80, $0x38;
	[tilespmem:$0x18100] =	vst v63  }
0x14: {  	_ =	swait.ge [sflag:s0], $0x80  }
0x15: {  	s2 =	rddreg [dreg:$0x5];
	[sflag:s0] =	ssyncset.done $0x0  }
0x16: {  	s17 =	rddreg [dreg:$0x6];
	[sflag:s0] =	ssyncadd.s32 $0xFFFFFF80  }
0x17: {  	[tilespmem:s17], [sflag:$0x2] =	stream.linear.gather [hbm4b:s2+s3], $0x80, $0x38;
	[tilespmem:$0x18100] =	vst v63  }
0x18: {  	_ =	swait.ge [sflag:s0], $0x80  }
0x19: {  	[sflag:s0] =	ssyncset.done $0x0  }
0x1a: {  	[sflag:s0] =	ssyncadd.s32 $0xFFFFFF80  }
0x1b: {  	v3 =	vld [tilespmem:$0x0];
	_ =	sdelay $0x4  }
0x1c: {  	v4 =	vshrl.u32 v3, $0x3  }
0x1d: {  	v4 =	vmul.u32 $0x30, v4  }
0x1e: {  	v3 =	vand.u32 $0x7, v3  }
0x1f: {  	v3 =	vor.u32 v3, v4  }
0x20: {  	v4 =	vperm.xlane v3, v0;
	_ =	sdelay $0x1  }
0x21: {  	v4 =	vadd.s32 v1, v4;
	_ =	sdelay $0x3  }
0x22: {  	s16 =	simm.s32 $0x100;
	v3 =	vperm.xlane v3, v2  }
0x23: {  	[tilespmem:s16], [sflag:$0x1] =	stream.indirect_vreg.gather [hbm4b:s1+s3], $0x80, v4, vm0, $0xb8;
	[tilespmem:$0x18100] =	vst v63  }
0x24: {  	s17 =	simm.s32 $0x900;
	v3 =	vadd.s32 v1, v3  }
0x25: {  	[tilespmem:s17], [sflag:$0x1] =	stream.indirect_vreg.gather [hbm4b:s5+s3], $0x80, v4, vm0, $0xb8;
	[tilespmem:$0x18100] =	vst v63  }
0x26: {  	_ = 	snop  }
0x27: {  	[tilespmem:s18], [sflag:$0x1] =	stream.indirect_vreg.gather [hbm4b:s6+s3], $0x80, v4, vm0, $0xb8;
	[tilespmem:$0x18100] =	vst v63  }
0x28: {  	_ = 	snop  }
0x29: {  	[tilespmem:s19], [sflag:$0x1] =	stream.indirect_vreg.gather [hbm4b:s1+s3], $0x80, v3, vm0, $0xb8;
	[tilespmem:$0x18100] =	vst v63  }
0x2a: {  	_ = 	snop  }
0x2b: {  	[tilespmem:s20], [sflag:$0x1] =	stream.indirect_vreg.gather [hbm4b:s5+s3], $0x80, v3, vm0, $0xb8;
	[tilespmem:$0x18100] =	vst v63  }
0x2c: {  	_ = 	snop  }
0x2d: {  	[tilespmem:s21], [sflag:$0x1] =	stream.indirect_vreg.gather [hbm4b:s6+s3], $0x80, v3, vm0, $0xb8;
	[tilespmem:$0x18100] =	vst v63  }
0x2e: {  	v3 =	vld [tilespmem:$0x10];
	_ =	sdelay $0x4  }
0x2f: {  	v49 =	vshrl.u32 v3, $0x3  }
0x30: {  	v4 =	vmul.u32 $0x30, v49  }
0x31: {  	v3 =	vand.u32 $0x7, v3  }
0x32: {  	v3 =	vor.u32 v3, v4  }
0x33: {  	v4 =	vperm.xlane v3, v0;
	_ =	sdelay $0x1  }
0x34: {  	v4 =	vadd.s32 v1, v4;
	_ =	sdelay $0x3  }
0x35: {  	v3 =	vperm.xlane v3, v2  }
0x36: {  	[tilespmem:s22], [sflag:$0x1] =	stream.indirect_vreg.gather [hbm4b:s1+s3], $0x80, v4, vm0, $0xb8;
	[tilespmem:$0x18100] =	vst v63  }
0x37: {  	v3 =	vadd.s32 v1, v3  }
0x38: {  	[tilespmem:s23], [sflag:$0x1] =	stream.indirect_vreg.gather [hbm4b:s5+s3], $0x80, v4, vm0, $0xb8;
	[tilespmem:$0x18100] =	vst v63  }
0x39: {  	_ = 	snop  }
0x3a: {  	[tilespmem:s24], [sflag:$0x1] =	stream.indirect_vreg.gather [hbm4b:s6+s3], $0x80, v4, vm0, $0xb8;
	[tilespmem:$0x18100] =	vst v63  }
0x3b: {  	_ = 	snop  }
0x3c: {  	[tilespmem:s25], [sflag:$0x1] =	stream.indirect_vreg.gather [hbm4b:s1+s3], $0x80, v3, vm0, $0xb8;
	[tilespmem:$0x18100] =	vst v63  }
0x3d: {  	_ = 	snop  }
0x3e: {  	[tilespmem:s26], [sflag:$0x1] =	stream.indirect_vreg.gather [hbm4b:s5+s3], $0x80, v3, vm0, $0xb8;
	[tilespmem:$0x18100] =	vst v63  }
0x3f: {  	_ = 	snop  }
0x40: {  	[tilespmem:s28], [sflag:$0x1] =	stream.indirect_vreg.gather [hbm4b:s6+s3], $0x80, v3, vm0, $0xb8;
	[tilespmem:$0x18100] =	vst v63  }
0x41: {  	v3 =	vld [tilespmem:$0x20];
	_ =	sdelay $0x4  }
0x42: {  	v50 =	vshrl.u32 v3, $0x3  }
0x43: {  	v4 =	vmul.u32 $0x30, v50  }
0x44: {  	v3 =	vand.u32 $0x7, v3  }
0x45: {  	v3 =	vor.u32 v3, v4  }
0x46: {  	v4 =	vperm.xlane v3, v0;
	_ =	sdelay $0x1  }
0x47: {  	v4 =	vadd.s32 v1, v4;
	_ =	sdelay $0x3  }
0x48: {  	v3 =	vperm.xlane v3, v2  }
0x49: {  	[tilespmem:s29], [sflag:$0x1] =	stream.indirect_vreg.gather [hbm4b:s1+s3], $0x80, v4, vm0, $0xb8;
	[tilespmem:$0x18100] =	vst v63  }
0x4a: {  	v3 =	vadd.s32 v1, v3  }
0x4b: {  	[tilespmem:s30], [sflag:$0x1] =	stream.indirect_vreg.gather [hbm4b:s5+s3], $0x80, v4, vm0, $0xb8;
	[tilespmem:$0x18100] =	vst v63  }
0x4c: {  	_ = 	snop  }
0x4d: {  	[tilespmem:s31], [sflag:$0x1] =	stream.indirect_vreg.gather [hbm4b:s6+s3], $0x80, v4, vm0, $0xb8;
	[tilespmem:$0x18100] =	vst v63  }
0x4e: {  	s2 =	simm.s32 $0x7900  }
0x4f: {  	[tilespmem:s2], [sflag:$0x1] =	stream.indirect_vreg.gather [hbm4b:s1+s3], $0x80, v3, vm0, $0xb8;
	[tilespmem:$0x18100] =	vst v63  }
0x50: {  	s2 =	simm.s32 $0x8100  }
0x51: {  	[tilespmem:s2], [sflag:$0x1] =	stream.indirect_vreg.gather [hbm4b:s5+s3], $0x80, v3, vm0, $0xb8;
	[tilespmem:$0x18100] =	vst v63  }
0x52: {  	_ = 	snop  }
0x53: {  	[tilespmem:s11], [sflag:$0x1] =	stream.indirect_vreg.gather [hbm4b:s6+s3], $0x80, v3, vm0, $0xb8;
	[tilespmem:$0x18100] =	vst v63  }
0x54: {  	v3 =	vld [tilespmem:$0x30];
	_ =	sdelay $0x4  }
0x55: {  	v51 =	vshrl.u32 v3, $0x3  }
0x56: {  	v4 =	vmul.u32 $0x30, v51  }
0x57: {  	v3 =	vand.u32 $0x7, v3  }
0x58: {  	v3 =	vor.u32 v3, v4  }
0x59: {  	v4 =	vperm.xlane v3, v0;
	_ =	sdelay $0x1  }
0x5a: {  	v4 =	vadd.s32 v1, v4;
	_ =	sdelay $0x3  }
0x5b: {  	v3 =	vperm.xlane v3, v2  }
0x5c: {  	[tilespmem:s12], [sflag:$0x1] =	stream.indirect_vreg.gather [hbm4b:s1+s3], $0x80, v4, vm0, $0xb8;
	[tilespmem:$0x18100] =	vst v63  }
0x5d: {  	v3 =	vadd.s32 v1, v3  }
0x5e: {  	[tilespmem:s13], [sflag:$0x1] =	stream.indirect_vreg.gather [hbm4b:s5+s3], $0x80, v4, vm0, $0xb8;
	[tilespmem:$0x18100] =	vst v63  }
0x5f: {  	_ = 	snop  }
0x60: {  	[tilespmem:s14], [sflag:$0x1] =	stream.indirect_vreg.gather [hbm4b:s6+s3], $0x80, v4, vm0, $0xb8;
	[tilespmem:$0x18100] =	vst v63  }
0x61: {  	_ = 	snop  }
0x62: {  	[tilespmem:s10], [sflag:$0x1] =	stream.indirect_vreg.gather [hbm4b:s1+s3], $0x80, v3, vm0, $0xb8;
	[tilespmem:$0x18100] =	vst v63  }
0x63: {  	s0 =	simm.s32 $0xB100  }
0x64: {  	[tilespmem:s0], [sflag:$0x1] =	stream.indirect_vreg.gather [hbm4b:s5+s3], $0x80, v3, vm0, $0xb8;
	[tilespmem:$0x18100] =	vst v63  }
0x65: {  	s0 =	simm.s32 $0xB900  }
0x66: {  	[tilespmem:s0], [sflag:$0x1] =	stream.indirect_vreg.gather [hbm4b:s6+s3], $0x80, v3, vm0, $0xb8;
	[tilespmem:$0x18100] =	vst v63  }
0x67: {  	v3 =	vld [tilespmem:$0x40];
	_ =	sdelay $0x4  }
0x68: {  	v52 =	vshrl.u32 v3, $0x3  }
0x69: {  	v4 =	vmul.u32 $0x30, v52  }
0x6a: {  	v3 =	vand.u32 $0x7, v3  }
0x6b: {  	v3 =	vor.u32 v3, v4  }
0x6c: {  	v4 =	vperm.xlane v3, v0;
	_ =	sdelay $0x1  }
0x6d: {  	v4 =	vadd.s32 v1, v4;
	_ =	sdelay $0x3  }
0x6e: {  	s0 =	simm.s32 $0xC100;
	v3 =	vperm.xlane v3, v2  }
0x6f: {  	[tilespmem:s0], [sflag:$0x1] =	stream.indirect_vreg.gather [hbm4b:s1+s3], $0x80, v4, vm0, $0xb8;
	[tilespmem:$0x18100] =	vst v63  }
0x70: {  	v3 =	vadd.s32 v1, v3;
	s0 =	simm.s32 $0xC900  }
0x71: {  	[tilespmem:s0], [sflag:$0x1] =	stream.indirect_vreg.gather [hbm4b:s5+s3], $0x80, v4, vm0, $0xb8;
	[tilespmem:$0x18100] =	vst v63  }
0x72: {  	s0 =	simm.s32 $0xD100  }
0x73: {  	[tilespmem:s0], [sflag:$0x1] =	stream.indirect_vreg.gather [hbm4b:s6+s3], $0x80, v4, vm0, $0xb8;
	[tilespmem:$0x18100] =	vst v63  }
0x74: {  	s0 =	simm.s32 $0xD900  }
0x75: {  	[tilespmem:s0], [sflag:$0x1] =	stream.indirect_vreg.gather [hbm4b:s1+s3], $0x80, v3, vm0, $0xb8;
	[tilespmem:$0x18100] =	vst v63  }
0x76: {  	s0 =	simm.s32 $0xE100  }
0x77: {  	[tilespmem:s0], [sflag:$0x1] =	stream.indirect_vreg.gather [hbm4b:s5+s3], $0x80, v3, vm0, $0xb8;
	[tilespmem:$0x18100] =	vst v63  }
0x78: {  	s0 =	simm.s32 $0xE900  }
0x79: {  	[tilespmem:s0], [sflag:$0x1] =	stream.indirect_vreg.gather [hbm4b:s6+s3], $0x80, v3, vm0, $0xb8;
	[tilespmem:$0x18100] =	vst v63  }
0x7a: {  	v3 =	vld [tilespmem:$0x50];
	_ =	sdelay $0x4  }
0x7b: {  	v53 =	vshrl.u32 v3, $0x3  }
0x7c: {  	v4 =	vmul.u32 $0x30, v53  }
0x7d: {  	v3 =	vand.u32 $0x7, v3  }
0x7e: {  	v3 =	vor.u32 v3, v4  }
0x7f: {  	v4 =	vperm.xlane v3, v0;
	_ =	sdelay $0x1  }
0x80: {  	v4 =	vadd.s32 v1, v4;
	_ =	sdelay $0x3  }
0x81: {  	s0 =	simm.s32 $0xF100;
	v3 =	vperm.xlane v3, v2  }
0x82: {  	[tilespmem:s0], [sflag:$0x1] =	stream.indirect_vreg.gather [hbm4b:s1+s3], $0x80, v4, vm0, $0xb8;
	[tilespmem:$0x18100] =	vst v63  }
0x83: {  	v3 =	vadd.s32 v1, v3;
	s0 =	simm.s32 $0xF900  }
0x84: {  	[tilespmem:s0], [sflag:$0x1] =	stream.indirect_vreg.gather [hbm4b:s5+s3], $0x80, v4, vm0, $0xb8;
	[tilespmem:$0x18100] =	vst v63  }
0x85: {  	s0 =	simm.s32 $0x10100  }
0x86: {  	[tilespmem:s0], [sflag:$0x1] =	stream.indirect_vreg.gather [hbm4b:s6+s3], $0x80, v4, vm0, $0xb8;
	[tilespmem:$0x18100] =	vst v63  }
0x87: {  	s0 =	simm.s32 $0x10900  }
0x88: {  	[tilespmem:s0], [sflag:$0x1] =	stream.indirect_vreg.gather [hbm4b:s1+s3], $0x80, v3, vm0, $0xb8;
	[tilespmem:$0x18100] =	vst v63  }
0x89: {  	s0 =	simm.s32 $0x11100  }
0x8a: {  	[tilespmem:s0], [sflag:$0x1] =	stream.indirect_vreg.gather [hbm4b:s5+s3], $0x80, v3, vm0, $0xb8;
	[tilespmem:$0x18100] =	vst v63  }
0x8b: {  	s0 =	simm.s32 $0x11900  }
0x8c: {  	[tilespmem:s0], [sflag:$0x1] =	stream.indirect_vreg.gather [hbm4b:s6+s3], $0x80, v3, vm0, $0xb8;
	[tilespmem:$0x18100] =	vst v63  }
0x8d: {  	v3 =	vld [tilespmem:$0x60];
	_ =	sdelay $0x4  }
0x8e: {  	v54 =	vshrl.u32 v3, $0x3  }
0x8f: {  	v4 =	vmul.u32 $0x30, v54  }
0x90: {  	v3 =	vand.u32 $0x7, v3  }
0x91: {  	v3 =	vor.u32 v3, v4  }
0x92: {  	v4 =	vperm.xlane v3, v0;
	_ =	sdelay $0x1  }
0x93: {  	v4 =	vadd.s32 v1, v4;
	_ =	sdelay $0x3  }
0x94: {  	s0 =	simm.s32 $0x12100;
	v3 =	vperm.xlane v3, v2  }
0x95: {  	[tilespmem:s0], [sflag:$0x1] =	stream.indirect_vreg.gather [hbm4b:s1+s3], $0x80, v4, vm0, $0xb8;
	[tilespmem:$0x18100] =	vst v63  }
0x96: {  	v3 =	vadd.s32 v1, v3;
	s0 =	simm.s32 $0x12900  }
0x97: {  	[tilespmem:s0], [sflag:$0x1] =	stream.indirect_vreg.gather [hbm4b:s5+s3], $0x80, v4, vm0, $0xb8;
	[tilespmem:$0x18100] =	vst v63  }
0x98: {  	s0 =	simm.s32 $0x13100  }
0x99: {  	[tilespmem:s0], [sflag:$0x1] =	stream.indirect_vreg.gather [hbm4b:s6+s3], $0x80, v4, vm0, $0xb8;
	[tilespmem:$0x18100] =	vst v63  }
0x9a: {  	s0 =	simm.s32 $0x13900  }
0x9b: {  	[tilespmem:s0], [sflag:$0x1] =	stream.indirect_vreg.gather [hbm4b:s1+s3], $0x80, v3, vm0, $0xb8;
	[tilespmem:$0x18100] =	vst v63  }
0x9c: {  	s0 =	simm.s32 $0x14100  }
0x9d: {  	[tilespmem:s0], [sflag:$0x1] =	stream.indirect_vreg.gather [hbm4b:s5+s3], $0x80, v3, vm0, $0xb8;
	[tilespmem:$0x18100] =	vst v63  }
0x9e: {  	s0 =	simm.s32 $0x14900  }
0x9f: {  	[tilespmem:s0], [sflag:$0x1] =	stream.indirect_vreg.gather [hbm4b:s6+s3], $0x80, v3, vm0, $0xb8;
	[tilespmem:$0x18100] =	vst v63  }
0xa0: {  	v3 =	vld [tilespmem:$0x70];
	_ =	sdelay $0x4  }
0xa1: {  	v55 =	vshrl.u32 v3, $0x3  }
0xa2: {  	v4 =	vmul.u32 $0x30, v55  }
0xa3: {  	v3 =	vand.u32 $0x7, v3  }
0xa4: {  	v3 =	vor.u32 v3, v4  }
0xa5: {  	v4 =	vperm.xlane v3, v0;
	_ =	sdelay $0x1  }
0xa6: {  	v4 =	vadd.s32 v1, v4;
	_ =	sdelay $0x3  }
0xa7: {  	s0 =	simm.s32 $0x15100;
	v3 =	vperm.xlane v3, v2  }
0xa8: {  	[tilespmem:s0], [sflag:$0x1] =	stream.indirect_vreg.gather [hbm4b:s1+s3], $0x80, v4, vm0, $0xb8;
	[tilespmem:$0x18100] =	vst v63  }
0xa9: {  	v3 =	vadd.s32 v1, v3;
	s0 =	simm.s32 $0x15900  }
0xaa: {  	[tilespmem:s0], [sflag:$0x1] =	stream.indirect_vreg.gather [hbm4b:s5+s3], $0x80, v4, vm0, $0xb8;
	[tilespmem:$0x18100] =	vst v63  }
0xab: {  	s0 =	simm.s32 $0x16100  }
0xac: {  	[tilespmem:s0], [sflag:$0x1] =	stream.indirect_vreg.gather [hbm4b:s6+s3], $0x80, v4, vm0, $0xb8;
	[tilespmem:$0x18100] =	vst v63  }
0xad: {  	s0 =	simm.s32 $0x16900  }
0xae: {  	[tilespmem:s0], [sflag:$0x1] =	stream.indirect_vreg.gather [hbm4b:s1+s3], $0x80, v3, vm0, $0xb8;
	[tilespmem:$0x18100] =	vst v63  }
0xaf: {  	s0 =	simm.s32 $0x17100  }
0xb0: {  	[tilespmem:s0], [sflag:$0x1] =	stream.indirect_vreg.gather [hbm4b:s5+s3], $0x80, v3, vm0, $0xb8;
	[tilespmem:$0x18100] =	vst v63  }
0xb1: {  	s0 =	simm.s32 $0x17900  }
0xb2: {  	[tilespmem:s0], [sflag:$0x1] =	stream.indirect_vreg.gather [hbm4b:s6+s3], $0x80, v3, vm0, $0xb8;
	[tilespmem:$0x18100] =	vst v63  }
0xb3: {  	_ =	swait.ge [sflag:s15], $0x18000  }
0xb4: {  	[sflag:s15] =	ssyncset.done $0x0  }
0xb5: {  	[sflag:s15] =	ssyncadd.s32 $0xFFFE8000  }
0xb6: {  	v3 =	vld [tilespmem:$0x80];
	_ =	sdelay $0x4  }
0xb7: {  	v56 =	vshrl.u32 v3, $0x3  }
0xb8: {  	v4 =	vmul.u32 $0x30, v56  }
0xb9: {  	v3 =	vand.u32 $0x7, v3  }
0xba: {  	v3 =	vor.u32 v3, v4  }
0xbb: {  	v4 =	vperm.xlane v3, v0;
	_ =	sdelay $0x1  }
0xbc: {  	v4 =	vadd.s32 v1, v4;
	_ =	sdelay $0x3  }
0xbd: {  	v3 =	vperm.xlane v3, v2  }
0xbe: {  	[hbm4b:s4+s3] =	stream.indirect_vreg.scatter [tilespmem:s16], [sflag:$0x1], $0x80, v4, vm0, $0xb8;
	[tilespmem:$0x18100] =	vst v63  }
0xbf: {  	v3 =	vadd.s32 v1, v3  }
0xc0: {  	[hbm4b:s7+s3] =	stream.indirect_vreg.scatter [tilespmem:s17], [sflag:$0x1], $0x80, v4, vm0, $0xb8;
	[tilespmem:$0x18100] =	vst v63  }
0xc1: {  	_ = 	snop  }
0xc2: {  	[hbm4b:s8+s3] =	stream.indirect_vreg.scatter [tilespmem:s18], [sflag:$0x1], $0x80, v4, vm0, $0xb8;
	[tilespmem:$0x18100] =	vst v63  }
0xc3: {  	_ = 	snop  }
0xc4: {  	[hbm4b:s4+s3] =	stream.indirect_vreg.scatter [tilespmem:s19], [sflag:$0x1], $0x80, v3, vm0, $0xb8;
	[tilespmem:$0x18100] =	vst v63  }
0xc5: {  	_ = 	snop  }
0xc6: {  	[hbm4b:s7+s3] =	stream.indirect_vreg.scatter [tilespmem:s20], [sflag:$0x1], $0x80, v3, vm0, $0xb8;
	[tilespmem:$0x18100] =	vst v63  }
0xc7: {  	_ = 	snop  }
0xc8: {  	[hbm4b:s8+s3] =	stream.indirect_vreg.scatter [tilespmem:s21], [sflag:$0x1], $0x80, v3, vm0, $0xb8;
	[tilespmem:$0x18100] =	vst v63  }
0xc9: {  	v3 =	vld [tilespmem:$0x90];
	_ =	sdelay $0x4  }
0xca: {  	v57 =	vshrl.u32 v3, $0x3  }
0xcb: {  	v4 =	vmul.u32 $0x30, v57  }
0xcc: {  	v3 =	vand.u32 $0x7, v3  }
0xcd: {  	v3 =	vor.u32 v3, v4  }
0xce: {  	v4 =	vperm.xlane v3, v0;
	_ =	sdelay $0x1  }
0xcf: {  	v4 =	vadd.s32 v1, v4;
	_ =	sdelay $0x3  }
0xd0: {  	v3 =	vperm.xlane v3, v2  }
0xd1: {  	[hbm4b:s4+s3] =	stream.indirect_vreg.scatter [tilespmem:s22], [sflag:$0x1], $0x80, v4, vm0, $0xb8;
	[tilespmem:$0x18100] =	vst v63  }
0xd2: {  	v3 =	vadd.s32 v1, v3  }
0xd3: {  	[hbm4b:s7+s3] =	stream.indirect_vreg.scatter [tilespmem:s23], [sflag:$0x1], $0x80, v4, vm0, $0xb8;
	[tilespmem:$0x18100] =	vst v63  }
0xd4: {  	_ = 	snop  }
0xd5: {  	[hbm4b:s8+s3] =	stream.indirect_vreg.scatter [tilespmem:s24], [sflag:$0x1], $0x80, v4, vm0, $0xb8;
	[tilespmem:$0x18100] =	vst v63  }
0xd6: {  	_ = 	snop  }
0xd7: {  	[hbm4b:s4+s3] =	stream.indirect_vreg.scatter [tilespmem:s25], [sflag:$0x1], $0x80, v3, vm0, $0xb8;
	[tilespmem:$0x18100] =	vst v63  }
0xd8: {  	_ = 	snop  }
0xd9: {  	[hbm4b:s7+s3] =	stream.indirect_vreg.scatter [tilespmem:s26], [sflag:$0x1], $0x80, v3, vm0, $0xb8;
	[tilespmem:$0x18100] =	vst v63  }
0xda: {  	_ = 	snop  }
0xdb: {  	[hbm4b:s8+s3] =	stream.indirect_vreg.scatter [tilespmem:s28], [sflag:$0x1], $0x80, v3, vm0, $0xb8;
	[tilespmem:$0x18100] =	vst v63  }
0xdc: {  	v3 =	vld [tilespmem:$0xA0];
	_ =	sdelay $0x4  }
0xdd: {  	v58 =	vshrl.u32 v3, $0x3  }
0xde: {  	v4 =	vmul.u32 $0x30, v58  }
0xdf: {  	v3 =	vand.u32 $0x7, v3  }
0xe0: {  	v3 =	vor.u32 v3, v4  }
0xe1: {  	v4 =	vperm.xlane v3, v0;
	_ =	sdelay $0x1  }
0xe2: {  	v4 =	vadd.s32 v1, v4;
	_ =	sdelay $0x3  }
0xe3: {  	v3 =	vperm.xlane v3, v2  }
0xe4: {  	[hbm4b:s4+s3] =	stream.indirect_vreg.scatter [tilespmem:s29], [sflag:$0x1], $0x80, v4, vm0, $0xb8;
	[tilespmem:$0x18100] =	vst v63  }
0xe5: {  	v3 =	vadd.s32 v1, v3  }
0xe6: {  	[hbm4b:s7+s3] =	stream.indirect_vreg.scatter [tilespmem:s30], [sflag:$0x1], $0x80, v4, vm0, $0xb8;
	[tilespmem:$0x18100] =	vst v63  }
0xe7: {  	_ = 	snop  }
0xe8: {  	[hbm4b:s8+s3] =	stream.indirect_vreg.scatter [tilespmem:s31], [sflag:$0x1], $0x80, v4, vm0, $0xb8;
	[tilespmem:$0x18100] =	vst v63  }
0xe9: {  	s17 =	simm.s32 $0x7900  }
0xea: {  	[hbm4b:s4+s3] =	stream.indirect_vreg.scatter [tilespmem:s17], [sflag:$0x1], $0x80, v3, vm0, $0xb8;
	[tilespmem:$0x18100] =	vst v63  }
0xeb: {  	_ = 	snop  }
0xec: {  	[hbm4b:s7+s3] =	stream.indirect_vreg.scatter [tilespmem:s2], [sflag:$0x1], $0x80, v3, vm0, $0xb8;
	[tilespmem:$0x18100] =	vst v63  }
0xed: {  	_ = 	snop  }
0xee: {  	[hbm4b:s8+s3] =	stream.indirect_vreg.scatter [tilespmem:s11], [sflag:$0x1], $0x80, v3, vm0, $0xb8;
	[tilespmem:$0x18100] =	vst v63  }
0xef: {  	v3 =	vld [tilespmem:$0xB0];
	_ =	sdelay $0x4  }
0xf0: {  	v59 =	vshrl.u32 v3, $0x3  }
0xf1: {  	v4 =	vmul.u32 $0x30, v59  }
0xf2: {  	v3 =	vand.u32 $0x7, v3  }
0xf3: {  	v3 =	vor.u32 v3, v4  }
0xf4: {  	v4 =	vperm.xlane v3, v0;
	_ =	sdelay $0x1  }
0xf5: {  	v4 =	vadd.s32 v1, v4;
	_ =	sdelay $0x3  }
0xf6: {  	v3 =	vperm.xlane v3, v2  }
0xf7: {  	[hbm4b:s4+s3] =	stream.indirect_vreg.scatter [tilespmem:s12], [sflag:$0x1], $0x80, v4, vm0, $0xb8;
	[tilespmem:$0x18100] =	vst v63  }
0xf8: {  	v3 =	vadd.s32 v1, v3  }
0xf9: {  	[hbm4b:s7+s3] =	stream.indirect_vreg.scatter [tilespmem:s13], [sflag:$0x1], $0x80, v4, vm0, $0xb8;
	[tilespmem:$0x18100] =	vst v63  }
0xfa: {  	_ = 	snop  }
0xfb: {  	[hbm4b:s8+s3] =	stream.indirect_vreg.scatter [tilespmem:s14], [sflag:$0x1], $0x80, v4, vm0, $0xb8;
	[tilespmem:$0x18100] =	vst v63  }
0xfc: {  	_ = 	snop  }
0xfd: {  	[hbm4b:s4+s3] =	stream.indirect_vreg.scatter [tilespmem:s10], [sflag:$0x1], $0x80, v3, vm0, $0xb8;
	[tilespmem:$0x18100] =	vst v63  }
0xfe: {  	s17 =	simm.s32 $0xB100  }
0xff: {  	[hbm4b:s7+s3] =	stream.indirect_vreg.scatter [tilespmem:s17], [sflag:$0x1], $0x80, v3, vm0, $0xb8;
	[tilespmem:$0x18100] =	vst v63  }
0x100: {  	s16 =	simm.s32 $0xB900  }
0x101: {  	[hbm4b:s8+s3] =	stream.indirect_vreg.scatter [tilespmem:s16], [sflag:$0x1], $0x80, v3, vm0, $0xb8;
	[tilespmem:$0x18100] =	vst v63  }
0x102: {  	v3 =	vld [tilespmem:$0xC0];
	_ =	sdelay $0x4  }
0x103: {  	v60 =	vshrl.u32 v3, $0x3  }
0x104: {  	v4 =	vmul.u32 $0x30, v60  }
0x105: {  	v3 =	vand.u32 $0x7, v3  }
0x106: {  	v3 =	vor.u32 v3, v4  }
0x107: {  	v4 =	vperm.xlane v3, v0;
	_ =	sdelay $0x1  }
0x108: {  	v4 =	vadd.s32 v1, v4;
	_ =	sdelay $0x3  }
0x109: {  	s17 =	simm.s32 $0xC100;
	v3 =	vperm.xlane v3, v2  }
0x10a: {  	[hbm4b:s4+s3] =	stream.indirect_vreg.scatter [tilespmem:s17], [sflag:$0x1], $0x80, v4, vm0, $0xb8;
	[tilespmem:$0x18100] =	vst v63  }
0x10b: {  	s16 =	simm.s32 $0xC900;
	v3 =	vadd.s32 v1, v3  }
0x10c: {  	[hbm4b:s7+s3] =	stream.indirect_vreg.scatter [tilespmem:s16], [sflag:$0x1], $0x80, v4, vm0, $0xb8;
	[tilespmem:$0x18100] =	vst v63  }
0x10d: {  	s17 =	simm.s32 $0xD100  }
0x10e: {  	[hbm4b:s8+s3] =	stream.indirect_vreg.scatter [tilespmem:s17], [sflag:$0x1], $0x80, v4, vm0, $0xb8;
	[tilespmem:$0x18100] =	vst v63  }
0x10f: {  	s16 =	simm.s32 $0xD900  }
0x110: {  	[hbm4b:s4+s3] =	stream.indirect_vreg.scatter [tilespmem:s16], [sflag:$0x1], $0x80, v3, vm0, $0xb8;
	[tilespmem:$0x18100] =	vst v63  }
0x111: {  	s17 =	simm.s32 $0xE100  }
0x112: {  	[hbm4b:s7+s3] =	stream.indirect_vreg.scatter [tilespmem:s17], [sflag:$0x1], $0x80, v3, vm0, $0xb8;
	[tilespmem:$0x18100] =	vst v63  }
0x113: {  	s16 =	simm.s32 $0xE900  }
0x114: {  	[hbm4b:s8+s3] =	stream.indirect_vreg.scatter [tilespmem:s16], [sflag:$0x1], $0x80, v3, vm0, $0xb8;
	[tilespmem:$0x18100] =	vst v63  }
0x115: {  	v3 =	vld [tilespmem:$0xD0];
	_ =	sdelay $0x4  }
0x116: {  	v61 =	vshrl.u32 v3, $0x3  }
0x117: {  	v4 =	vmul.u32 $0x30, v61  }
0x118: {  	v3 =	vand.u32 $0x7, v3  }
0x119: {  	v3 =	vor.u32 v3, v4  }
0x11a: {  	v4 =	vperm.xlane v3, v0;
	_ =	sdelay $0x1  }
0x11b: {  	v4 =	vadd.s32 v1, v4;
	_ =	sdelay $0x3  }
0x11c: {  	s17 =	simm.s32 $0xF100;
	v3 =	vperm.xlane v3, v2  }
0x11d: {  	[hbm4b:s4+s3] =	stream.indirect_vreg.scatter [tilespmem:s17], [sflag:$0x1], $0x80, v4, vm0, $0xb8;
	[tilespmem:$0x18100] =	vst v63  }
0x11e: {  	s16 =	simm.s32 $0xF900;
	v3 =	vadd.s32 v1, v3  }
0x11f: {  	[hbm4b:s7+s3] =	stream.indirect_vreg.scatter [tilespmem:s16], [sflag:$0x1], $0x80, v4, vm0, $0xb8;
	[tilespmem:$0x18100] =	vst v63  }
0x120: {  	s17 =	simm.s32 $0x10100  }
0x121: {  	[hbm4b:s8+s3] =	stream.indirect_vreg.scatter [tilespmem:s17], [sflag:$0x1], $0x80, v4, vm0, $0xb8;
	[tilespmem:$0x18100] =	vst v63  }
0x122: {  	s16 =	simm.s32 $0x10900  }
0x123: {  	[hbm4b:s4+s3] =	stream.indirect_vreg.scatter [tilespmem:s16], [sflag:$0x1], $0x80, v3, vm0, $0xb8;
	[tilespmem:$0x18100] =	vst v63  }
0x124: {  	s17 =	simm.s32 $0x11100  }
0x125: {  	[hbm4b:s7+s3] =	stream.indirect_vreg.scatter [tilespmem:s17], [sflag:$0x1], $0x80, v3, vm0, $0xb8;
	[tilespmem:$0x18100] =	vst v63  }
0x126: {  	s16 =	simm.s32 $0x11900  }
0x127: {  	[hbm4b:s8+s3] =	stream.indirect_vreg.scatter [tilespmem:s16], [sflag:$0x1], $0x80, v3, vm0, $0xb8;
	[tilespmem:$0x18100] =	vst v63  }
0x128: {  	v3 =	vld [tilespmem:$0xE0];
	_ =	sdelay $0x4  }
0x129: {  	v62 =	vshrl.u32 v3, $0x3  }
0x12a: {  	v4 =	vmul.u32 $0x30, v62  }
0x12b: {  	v3 =	vand.u32 $0x7, v3  }
0x12c: {  	v3 =	vor.u32 v3, v4  }
0x12d: {  	v4 =	vperm.xlane v3, v0;
	_ =	sdelay $0x1  }
0x12e: {  	v4 =	vadd.s32 v1, v4;
	_ =	sdelay $0x3  }
0x12f: {  	s17 =	simm.s32 $0x12100;
	v3 =	vperm.xlane v3, v2  }
0x130: {  	[hbm4b:s4+s3] =	stream.indirect_vreg.scatter [tilespmem:s17], [sflag:$0x1], $0x80, v4, vm0, $0xb8;
	[tilespmem:$0x18100] =	vst v63  }
0x131: {  	s16 =	simm.s32 $0x12900;
	v3 =	vadd.s32 v1, v3  }
0x132: {  	[hbm4b:s7+s3] =	stream.indirect_vreg.scatter [tilespmem:s16], [sflag:$0x1], $0x80, v4, vm0, $0xb8;
	[tilespmem:$0x18100] =	vst v63  }
0x133: {  	s17 =	simm.s32 $0x13100  }
0x134: {  	[hbm4b:s8+s3] =	stream.indirect_vreg.scatter [tilespmem:s17], [sflag:$0x1], $0x80, v4, vm0, $0xb8;
	[tilespmem:$0x18100] =	vst v63  }
0x135: {  	s16 =	simm.s32 $0x13900  }
0x136: {  	[hbm4b:s4+s3] =	stream.indirect_vreg.scatter [tilespmem:s16], [sflag:$0x1], $0x80, v3, vm0, $0xb8;
	[tilespmem:$0x18100] =	vst v63  }
0x137: {  	s17 =	simm.s32 $0x14100  }
0x138: {  	[hbm4b:s7+s3] =	stream.indirect_vreg.scatter [tilespmem:s17], [sflag:$0x1], $0x80, v3, vm0, $0xb8;
	[tilespmem:$0x18100] =	vst v63  }
0x139: {  	s16 =	simm.s32 $0x14900  }
0x13a: {  	[hbm4b:s8+s3] =	stream.indirect_vreg.scatter [tilespmem:s16], [sflag:$0x1], $0x80, v3, vm0, $0xb8;
	[tilespmem:$0x18100] =	vst v63  }
0x13b: {  	v3 =	vld [tilespmem:$0xF0];
	_ =	sdelay $0x4  }
0x13c: {  	v63 =	vshrl.u32 v3, $0x3  }
0x13d: {  	v4 =	vmul.u32 $0x30, v63  }
0x13e: {  	v3 =	vand.u32 $0x7, v3  }
0x13f: {  	v3 =	vor.u32 v3, v4  }
0x140: {  	v4 =	vperm.xlane v3, v0;
	_ =	sdelay $0x1  }
0x141: {  	v4 =	vadd.s32 v1, v4;
	_ =	sdelay $0x3  }
0x142: {  	s17 =	simm.s32 $0x15100;
	v3 =	vperm.xlane v3, v2  }
0x143: {  	[hbm4b:s4+s3] =	stream.indirect_vreg.scatter [tilespmem:s17], [sflag:$0x1], $0x80, v4, vm0, $0xb8;
	[tilespmem:$0x18100] =	vst v63  }
0x144: {  	s16 =	simm.s32 $0x15900;
	v3 =	vadd.s32 v1, v3  }
0x145: {  	[hbm4b:s7+s3] =	stream.indirect_vreg.scatter [tilespmem:s16], [sflag:$0x1], $0x80, v4, vm0, $0xb8;
	[tilespmem:$0x18100] =	vst v63  }
0x146: {  	s17 =	simm.s32 $0x16100  }
0x147: {  	[hbm4b:s8+s3] =	stream.indirect_vreg.scatter [tilespmem:s17], [sflag:$0x1], $0x80, v4, vm0, $0xb8;
	[tilespmem:$0x18100] =	vst v63  }
0x148: {  	s16 =	simm.s32 $0x16900  }
0x149: {  	[hbm4b:s4+s3] =	stream.indirect_vreg.scatter [tilespmem:s16], [sflag:$0x1], $0x80, v3, vm0, $0xb8;
	[tilespmem:$0x18100] =	vst v63  }
0x14a: {  	p0 =	sne.s32 s9, $0x1;
	s17 =	simm.s32 $0x17100  }
0x14b: {  	[hbm4b:s7+s3] =	stream.indirect_vreg.scatter [tilespmem:s17], [sflag:$0x1], $0x80, v3, vm0, $0xb8;
	[tilespmem:$0x18100] =	vst v63  }
.Ltmp0:
0x14c: {  	_ = 	snop;
	(pc) =	sbr.rel @p0 .LBB2_1-.Ltmp0, $4  }
0x14d: {  	[hbm4b:s8+s3] =	stream.indirect_vreg.scatter [tilespmem:s0], [sflag:$0x1], $0x80, v3, vm0, $0xb8;
	[tilespmem:$0x18100] =	vst v63  }
0x14e: {  	_ =	swait.ge [sflag:s15], $0x18000  }
0x14f: {  	[sflag:s15] =	ssyncset.done $0x0  }
0x150: {  	s9 =	sadd.s32 $0xFFFFFFFF, s9;
	[sflag:s15] =	ssyncadd.s32 $0xFFFE8000  }
0x151: {  	_ =	sfence.sel $0x180000  }
0x152: {  	[bflag:$0x0] =	sbarrier.arrive $0xFFFF  }
0x153: {  	_ =	strace $0x90000047  }
0x154: {  	s0 =	stileid.u32;
	[bflag:$0x2] =	sbarrier.arrive $0xFFFF  }
0x155: {  	p0 =	sne.s32 s0, $0x0;
	s0 =	rddreg [dreg:$0x3]  }
0x156: {  	s0 =	sadd.s32 @!p0 $0x100000, s0  }
0x157: {  	[sflag:s0] =	ssyncadd.tile.s32 @!p0 $0x1;
	_ =	shalt  }
.Lfunc_end2:
_tile_overlayer_lowered:
.L_overlay_start_2:
0x158: {  	(tag) =	ssettag $0x2  }
0x159: {  	s0 =	rddreg [dreg:$0x0];
	s2 =	stileid.u32  }
0x15a: {  	s1 =	rddreg [dreg:$0x1];
	p0 =	sne.s32 s2, $0x0  }
0x15b: {  	s3 =	rddreg [dreg:$0x2];
	[bflag:$0x3] =	sbarrier.arrive $0xFFFF;
	s2 =	simm.s32 @!p0 $0x1C02  }
0x15c: {  	[timem:s3], [sflag:s2] =	dma.local @!p0 [hbm:s0], s1  }
0x15d: {  	s0 =	simm.s32 @!p0 $0x2  }
0x15e: {  	_ =	swait.ge @!p0 [sflag:s0], s1  }
0x15f: {  	s1 =	ssub.s32 @!p0 $0x0, s1;
	[sflag:s0] =	ssyncset.done @!p0 $0x0  }
0x160: {  	[sflag:s0] =	ssyncadd.s32 @!p0 s1  }
0x161: {  	[bflag:$0x3] =	sbarrier.arrive $0xFFFF  }
0x162: {  	_ =	shalt  }

</sc_bundles>
